<compile_context>
chip_gen: v7x
topology: tpu7x:2x2x1
jax: 0.10.2.dev20260603
libtpu: 0.0.44.dev20260713+nightly
codegen_flags: <defaults>
</compile_context>

<pallas_src>
import functools

import jax
import jax.numpy as jnp
from jax import lax
from jax.experimental import pallas as pl
from jax.experimental.pallas import tpu as pltpu
from jax.experimental.pallas import tpu_sc as plsc

_B = 16384
_E = 64
_BPW = _B // 16
_K = 16

_mesh = plsc.VectorSubcoreMesh(core_axis_name="c", subcore_axis_name="s")


@functools.partial(
    pl.kernel,
    out_type=[
        jax.ShapeDtypeStruct((_B, _E), jnp.float32),
        jax.ShapeDtypeStruct((_B, _E), jnp.float32),
    ],
    mesh=_mesh,
    scratch_types=[
        pltpu.VMEM((_BPW + 16,), jnp.int32),
        pltpu.SemaphoreType.DMA,
    ],
)
def _gather_sc(uidx_hbm, iidx_hbm, utab_hbm, itab_hbm, u_out, i_out,
               idx_v, sem):
    c = lax.axis_index("c")
    ws = lax.axis_index("s")
    base = ws * _BPW

    def do(idx_hbm, tab_hbm, out_hbm):
        pltpu.sync_copy(idx_hbm.at[pl.ds(base, _BPW)],
                        idx_v.at[pl.ds(0, _BPW)])

        def fire(o):
            j0 = o * _K
            v = idx_v[pl.ds(j0, _K)]
            for t in range(_K):
                r = v[t]
                pltpu.async_copy(
                    tab_hbm.at[pl.ds(r, 1)],
                    out_hbm.at[pl.ds(base + j0 + t, 1)], sem)

        def drain():
            pltpu.make_async_copy(
                tab_hbm.at[pl.ds(0, _K)],
                out_hbm.at[pl.ds(base, _K)], sem).wait()

        fire(0)
        fire(1)

        def outer(o, carry):
            fire(o)
            drain()
            return carry
        lax.fori_loop(2, _BPW // _K, outer, 0)
        drain()
        drain()

    @pl.when(c == 0)
    def _():
        do(uidx_hbm, utab_hbm, u_out)

    @pl.when(c == 1)
    def _():
        do(iidx_hbm, itab_hbm, i_out)


def _mlp_body(u_ref, i_ref, w1u_ref, w1i_ref, b1_ref, g1_ref, be1_ref,
              w2_ref, b2_ref, g2_ref, be2_ref, wog_ref, woh_ref, bo_ref,
              out_ref):
    dn = (((1,), (1,)), ((), ()))
    u = u_ref[...]
    it = i_ref[...]
    h = (lax.dot_general(u, w1u_ref[...], dn, preferred_element_type=jnp.float32)
         + lax.dot_general(it, w1i_ref[...], dn, preferred_element_type=jnp.float32)
         + b1_ref[...])
    mu = jnp.mean(h, axis=0, keepdims=True)
    var = jnp.mean((h - mu) ** 2, axis=0, keepdims=True)
    h = (h - mu) * lax.rsqrt(var + 1e-5) * g1_ref[...] + be1_ref[...]
    h = jnp.maximum(h, 0.0)
    h2 = lax.dot_general(h, w2_ref[...], dn, preferred_element_type=jnp.float32) + b2_ref[...]
    mu2 = jnp.mean(h2, axis=0, keepdims=True)
    var2 = jnp.mean((h2 - mu2) ** 2, axis=0, keepdims=True)
    h2 = (h2 - mu2) * lax.rsqrt(var2 + 1e-5) * g2_ref[...] + be2_ref[...]
    h2 = jnp.maximum(h2, 0.0)
    gmf = u * it
    pred = (lax.dot_general(gmf, wog_ref[...], dn, preferred_element_type=jnp.float32)
            + lax.dot_general(h2, woh_ref[...], dn, preferred_element_type=jnp.float32)
            + bo_ref[...])
    out_ref[...] = 4.5 / (1.0 + jnp.exp(-pred)) + 0.5


_mlp = pl.pallas_call(
    _mlp_body,
    out_shape=jax.ShapeDtypeStruct((_B, 1), jnp.float32),
)


def kernel(user_indices, item_indices, user_table, item_table,
           W1, b1, g1, be1, W2, b2, g2, be2, Wo, bo):
    ui = user_indices.astype(jnp.int32)
    ii = item_indices.astype(jnp.int32)
    u, it = _gather_sc(ui, ii, user_table, item_table)
    pred = _mlp(
        u, it, W1[:, :_E], W1[:, _E:],
        b1.reshape(1, -1), g1.reshape(1, -1), be1.reshape(1, -1),
        W2,
        b2.reshape(1, -1), g2.reshape(1, -1), be2.reshape(1, -1),
        Wo[:, :_E], Wo[:, _E:],
        bo.reshape(1, 1),
    )
    return pred[:, 0]

# --- scband reference (transcript-rebuilt; emitter-appended) ---
"""Pipeline reference for scband-simplified-neu-mf-8761733284249 (READ-ONLY COPY).

The authoritative reference and input builder live on the scoring server;
editing this copy changes nothing except your own understanding.
"""

import jax, jax.numpy as jnp
import numpy as np

B = 16384
E = 64
NU = 1000000
NI = 1000000


def _bn(x, gamma, beta, eps=1e-5):
    # BatchNorm1d in training mode: normalize with batch statistics
    mu = jnp.mean(x, axis=0)
    var = jnp.var(x, axis=0)
    return (x - mu) / jnp.sqrt(var + eps) * gamma + beta


def setup_inputs(seed: int = 0) -> dict:
    key = jax.random.key(seed)
    ks = jax.random.split(key, 8)
    return {
        "user_indices": jax.random.randint(ks[0], (B,), 0, NU),
        "item_indices": jax.random.randint(ks[1], (B,), 0, NI),
        "user_table": jax.random.normal(ks[2], (NU + 1, E), dtype=jnp.float32) * 0.02,
        "item_table": jax.random.normal(ks[3], (NI + 1, E), dtype=jnp.float32) * 0.02,
        "W1": jax.random.normal(ks[4], (64, 2 * E), dtype=jnp.float32) * 0.05,
        "b1": jnp.zeros((64,), jnp.float32),
        "g1": jnp.ones((64,), jnp.float32),
        "be1": jnp.zeros((64,), jnp.float32),
        "W2": jax.random.normal(ks[5], (32, 64), dtype=jnp.float32) * 0.05,
        "b2": jnp.zeros((32,), jnp.float32),
        "g2": jnp.ones((32,), jnp.float32),
        "be2": jnp.zeros((32,), jnp.float32),
        "Wo": jax.random.normal(ks[6], (1, E + 32), dtype=jnp.float32) * 0.05,
        "bo": jnp.zeros((1,), jnp.float32),
    }


def reference(user_indices, item_indices, user_table, item_table, W1, b1, g1, be1, W2, b2, g2, be2, Wo, bo):
    u = jnp.take(user_table, user_indices, axis=0)
    i = jnp.take(item_table, item_indices, axis=0)
    gmf = u * i
    x = jnp.concatenate([u, i], axis=1)
    h = x @ W1.T + b1
    h = jax.nn.relu(_bn(h, g1, be1))
    h = h @ W2.T + b2
    h = jax.nn.relu(_bn(h, g2, be2))
    comb = jnp.concatenate([gmf, h], axis=1)
    pred = comb @ Wo.T + bo
    return (jax.nn.sigmoid(pred) * 4.5 + 0.5).squeeze()

if __name__ == "__main__":
    import jax
    _d = setup_inputs()
    print(jax.jit(kernel)(*tuple(_d.values())))

</pallas_src>

<mosaic_0001>
#map = affine_map<(d0, d1) -> (0)>
#map1 = affine_map<(d0, d1) -> (0, 0)>
module attributes {stable_mosaic.version = 14 : i64} {
  func.func @_gather_sc(%arg0: i32, %arg1: i32, %arg2: memref<16384xi32, #tpu.memory_space<hbm>>, %arg3: memref<16384xi32, #tpu.memory_space<hbm>>, %arg4: memref<1000001x64xf32, #tpu.memory_space<hbm>>, %arg5: memref<1000001x64xf32, #tpu.memory_space<hbm>>, %arg6: memref<16384x64xf32, #tpu.memory_space<hbm>>, %arg7: memref<16384x64xf32, #tpu.memory_space<hbm>>, %arg8: memref<1040xi32, #tpu.memory_space<vmem>>, %arg9: memref<!tpu.dma_semaphore, #tpu.memory_space<semaphore_mem>>) attributes {dimension_semantics = [#tpu.dimension_semantics<core_parallel>, #tpu.dimension_semantics<subcore_parallel>], iteration_bounds = array<i64: 2, 16>, scalar_prefetch = 0 : i64, scratch_operands = 2 : i64, tpu.core_type = #tpu.core_type<sc_vector_subcore>, window_params = [{transform_indices = #map}, {transform_indices = #map}, {transform_indices = #map1}, {transform_indices = #map1}, {transform_indices = #map1}, {transform_indices = #map1}]} {
    %mul3A = arith.constant 1024 : i32
    %mul3A_0 = arith.muli %arg1, %mul3A : i32
    %eq3A = arith.constant 0 : i32
    %eq3A_1 = arith.cmpi eq, %arg0, %eq3A : i32
    %convert_element_type3A = arith.extui %eq3A_1 : i1 to i32
    %cond3A = arith.constant 0 : i32
    %cond3A_2 = arith.cmpi ne, %convert_element_type3A, %cond3A : i32
    scf.if %cond3A_2 {
      "tpu.region"() ({
        %run_scoped3A = tpu.sem_alloc : memref<!tpu.dma_semaphore, #tpu.memory_space<semaphore_mem>>
        %dma_start3A_343 = arith.constant 0 : i32
        %dma_start3A_344 = tpu.memref_slice %arg8[%dma_start3A_343] : memref<1040xi32, #tpu.memory_space<vmem>> -> memref<1024xi32, #tpu.memory_space<vmem>>
        %dma_start3A_345 = tpu.memref_slice %arg2[%mul3A_0] : memref<16384xi32, #tpu.memory_space<hbm>> -> memref<1024xi32, #tpu.memory_space<hbm>>
        %dma_start3A_346 = arith.constant 0 : i32
        %dma_start3A_347 = tpu.memref_slice %arg8[%dma_start3A_346] : memref<1040xi32, #tpu.memory_space<vmem>> -> memref<1024xi32, #tpu.memory_space<vmem>>
        %dma_start3A_348 = tpu.memref_slice %arg2[%mul3A_0] : memref<16384xi32, #tpu.memory_space<hbm>> -> memref<1024xi32, #tpu.memory_space<hbm>>
        tpu.enqueue_dma source(%dma_start3A_348 : memref<1024xi32, #tpu.memory_space<hbm>>) target(%dma_start3A_347 : memref<1024xi32, #tpu.memory_space<vmem>>) target_semaphore(%run_scoped3A : memref<!tpu.dma_semaphore, #tpu.memory_space<semaphore_mem>>)
        %dma_wait3A_349 = arith.constant 0 : i32
        %dma_wait3A_350 = tpu.memref_slice %arg8[%dma_wait3A_349] : memref<1040xi32, #tpu.memory_space<vmem>> -> memref<1024xi32, #tpu.memory_space<vmem>>
        %dma_wait3A_351 = tpu.memref_slice %arg2[%mul3A_0] : memref<16384xi32, #tpu.memory_space<hbm>> -> memref<1024xi32, #tpu.memory_space<hbm>>
        %dma_wait3A_352 = arith.constant 0 : i32
        %dma_wait3A_353 = tpu.memref_slice %arg8[%dma_wait3A_352] : memref<1040xi32, #tpu.memory_space<vmem>> -> memref<1024xi32, #tpu.memory_space<vmem>>
        %dma_wait3A_354 = tpu.memref_slice %arg2[%mul3A_0] : memref<16384xi32, #tpu.memory_space<hbm>> -> memref<1024xi32, #tpu.memory_space<hbm>>
        tpu.wait_dma2 semaphore(%run_scoped3A : memref<!tpu.dma_semaphore, #tpu.memory_space<semaphore_mem>>) src(%dma_wait3A_354 : memref<1024xi32, #tpu.memory_space<hbm>>) dst(%dma_wait3A_353 : memref<1024xi32, #tpu.memory_space<vmem>>)
        tpu.yield
      }) : () -> ()
      %get3A = arith.constant 0 : index
      %get3A_8 = tpu.vector_load %arg8[%get3A] {strides = array<i32>} : memref<1040xi32, #tpu.memory_space<vmem>>, vector<16xi32>,
      %get3A_9 = vector.shape_cast %get3A_8 : vector<16xi32> to vector<16xi32>
      %slice3A = vector.extract_strided_slice %get3A_9 {offsets = [0], sizes = [1], strides = [1]} : vector<16xi32> to vector<1xi32>
      %squeeze3A = vector.extract %slice3A[0] : i32 from vector<1xi32>
      %add3A = arith.constant 0 : i32
      %add3A_10 = arith.addi %mul3A_0, %add3A : i32
      %add3A_11 = arith.constant 0 : i32
      %add3A_12 = arith.addi %add3A_10, %add3A_11 : i32
      %dma_start3A = arith.constant 0 : i32
      %dma_start3A_13 = tpu.memref_slice %arg6[%add3A_12, %dma_start3A] : memref<16384x64xf32, #tpu.memory_space<hbm>> -> memref<1x64xf32, #tpu.memory_space<hbm>>
      %dma_start3A_14 = arith.constant 0 : i32
      %dma_start3A_15 = tpu.memref_slice %arg4[%squeeze3A, %dma_start3A_14] : memref<1000001x64xf32, #tpu.memory_space<hbm>> -> memref<1x64xf32, #tpu.memory_space<hbm>>
      tpu.enqueue_dma source(%dma_start3A_15 : memref<1x64xf32, #tpu.memory_space<hbm>>) target(%dma_start3A_13 : memref<1x64xf32, #tpu.memory_space<hbm>>) target_semaphore(%arg9 : memref<!tpu.dma_semaphore, #tpu.memory_space<semaphore_mem>>)
      %slice3A_16 = vector.extract_strided_slice %get3A_9 {offsets = [1], sizes = [1], strides = [1]} : vector<16xi32> to vector<1xi32>
      %squeeze3A_17 = vector.extract %slice3A_16[0] : i32 from vector<1xi32>
      %add3A_18 = arith.constant 0 : i32
      %add3A_19 = arith.addi %mul3A_0, %add3A_18 : i32
      %add3A_20 = arith.constant 1 : i32
      %add3A_21 = arith.addi %add3A_19, %add3A_20 : i32
      %dma_start3A_22 = arith.constant 0 : i32
      %dma_start3A_23 = tpu.memref_slice %arg6[%add3A_21, %dma_start3A_22] : memref<16384x64xf32, #tpu.memory_space<hbm>> -> memref<1x64xf32, #tpu.memory_space<hbm>>
      %dma_start3A_24 = arith.constant 0 : i32
      %dma_start3A_25 = tpu.memref_slice %arg4[%squeeze3A_17, %dma_start3A_24] : memref<1000001x64xf32, #tpu.memory_space<hbm>> -> memref<1x64xf32, #tpu.memory_space<hbm>>
      tpu.enqueue_dma source(%dma_start3A_25 : memref<1x64xf32, #tpu.memory_space<hbm>>) target(%dma_start3A_23 : memref<1x64xf32, #tpu.memory_space<hbm>>) target_semaphore(%arg9 : memref<!tpu.dma_semaphore, #tpu.memory_space<semaphore_mem>>)
      %slice3A_26 = vector.extract_strided_slice %get3A_9 {offsets = [2], sizes = [1], strides = [1]} : vector<16xi32> to vector<1xi32>
      %squeeze3A_27 = vector.extract %slice3A_26[0] : i32 from vector<1xi32>
      %add3A_28 = arith.constant 0 : i32
      %add3A_29 = arith.addi %mul3A_0, %add3A_28 : i32
      %add3A_30 = arith.constant 2 : i32
      %add3A_31 = arith.addi %add3A_29, %add3A_30 : i32
      %dma_start3A_32 = arith.constant 0 : i32
      %dma_start3A_33 = tpu.memref_slice %arg6[%add3A_31, %dma_start3A_32] : memref<16384x64xf32, #tpu.memory_space<hbm>> -> memref<1x64xf32, #tpu.memory_space<hbm>>
      %dma_start3A_34 = arith.constant 0 : i32
      %dma_start3A_35 = tpu.memref_slice %arg4[%squeeze3A_27, %dma_start3A_34] : memref<1000001x64xf32, #tpu.memory_space<hbm>> -> memref<1x64xf32, #tpu.memory_space<hbm>>
      tpu.enqueue_dma source(%dma_start3A_35 : memref<1x64xf32, #tpu.memory_space<hbm>>) target(%dma_start3A_33 : memref<1x64xf32, #tpu.memory_space<hbm>>) target_semaphore(%arg9 : memref<!tpu.dma_semaphore, #tpu.memory_space<semaphore_mem>>)
      %slice3A_36 = vector.extract_strided_slice %get3A_9 {offsets = [3], sizes = [1], strides = [1]} : vector<16xi32> to vector<1xi32>
      %squeeze3A_37 = vector.extract %slice3A_36[0] : i32 from vector<1xi32>
      %add3A_38 = arith.constant 0 : i32
      %add3A_39 = arith.addi %mul3A_0, %add3A_38 : i32
      %add3A_40 = arith.constant 3 : i32
      %add3A_41 = arith.addi %add3A_39, %add3A_40 : i32
      %dma_start3A_42 = arith.constant 0 : i32
      %dma_start3A_43 = tpu.memref_slice %arg6[%add3A_41, %dma_start3A_42] : memref<16384x64xf32, #tpu.memory_space<hbm>> -> memref<1x64xf32, #tpu.memory_space<hbm>>
      %dma_start3A_44 = arith.constant 0 : i32
      %dma_start3A_45 = tpu.memref_slice %arg4[%squeeze3A_37, %dma_start3A_44] : memref<1000001x64xf32, #tpu.memory_space<hbm>> -> memref<1x64xf32, #tpu.memory_space<hbm>>
      tpu.enqueue_dma source(%dma_start3A_45 : memref<1x64xf32, #tpu.memory_space<hbm>>) target(%dma_start3A_43 : memref<1x64xf32, #tpu.memory_space<hbm>>) target_semaphore(%arg9 : memref<!tpu.dma_semaphore, #tpu.memory_space<semaphore_mem>>)
      %slice3A_46 = vector.extract_strided_slice %get3A_9 {offsets = [4], sizes = [1], strides = [1]} : vector<16xi32> to vector<1xi32>
      %squeeze3A_47 = vector.extract %slice3A_46[0] : i32 from vector<1xi32>
      %add3A_48 = arith.constant 0 : i32
      %add3A_49 = arith.addi %mul3A_0, %add3A_48 : i32
      %add3A_50 = arith.constant 4 : i32
      %add3A_51 = arith.addi %add3A_49, %add3A_50 : i32
      %dma_start3A_52 = arith.constant 0 : i32
      %dma_start3A_53 = tpu.memref_slice %arg6[%add3A_51, %dma_start3A_52] : memref<16384x64xf32, #tpu.memory_space<hbm>> -> memref<1x64xf32, #tpu.memory_space<hbm>>
      %dma_start3A_54 = arith.constant 0 : i32
      %dma_start3A_55 = tpu.memref_slice %arg4[%squeeze3A_47, %dma_start3A_54] : memref<1000001x64xf32, #tpu.memory_space<hbm>> -> memref<1x64xf32, #tpu.memory_space<hbm>>
      tpu.enqueue_dma source(%dma_start3A_55 : memref<1x64xf32, #tpu.memory_space<hbm>>) target(%dma_start3A_53 : memref<1x64xf32, #tpu.memory_space<hbm>>) target_semaphore(%arg9 : memref<!tpu.dma_semaphore, #tpu.memory_space<semaphore_mem>>)
      %slice3A_56 = vector.extract_strided_slice %get3A_9 {offsets = [5], sizes = [1], strides = [1]} : vector<16xi32> to vector<1xi32>
      %squeeze3A_57 = vector.extract %slice3A_56[0] : i32 from vector<1xi32>
      %add3A_58 = arith.constant 0 : i32
      %add3A_59 = arith.addi %mul3A_0, %add3A_58 : i32
      %add3A_60 = arith.constant 5 : i32
      %add3A_61 = arith.addi %add3A_59, %add3A_60 : i32
      %dma_start3A_62 = arith.constant 0 : i32
      %dma_start3A_63 = tpu.memref_slice %arg6[%add3A_61, %dma_start3A_62] : memref<16384x64xf32, #tpu.memory_space<hbm>> -> memref<1x64xf32, #tpu.memory_space<hbm>>
      %dma_start3A_64 = arith.constant 0 : i32
      %dma_start3A_65 = tpu.memref_slice %arg4[%squeeze3A_57, %dma_start3A_64] : memref<1000001x64xf32, #tpu.memory_space<hbm>> -> memref<1x64xf32, #tpu.memory_space<hbm>>
      tpu.enqueue_dma source(%dma_start3A_65 : memref<1x64xf32, #tpu.memory_space<hbm>>) target(%dma_start3A_63 : memref<1x64xf32, #tpu.memory_space<hbm>>) target_semaphore(%arg9 : memref<!tpu.dma_semaphore, #tpu.memory_space<semaphore_mem>>)
      %slice3A_66 = vector.extract_strided_slice %get3A_9 {offsets = [6], sizes = [1], strides = [1]} : vector<16xi32> to vector<1xi32>
      %squeeze3A_67 = vector.extract %slice3A_66[0] : i32 from vector<1xi32>
      %add3A_68 = arith.constant 0 : i32
      %add3A_69 = arith.addi %mul3A_0, %add3A_68 : i32
      %add3A_70 = arith.constant 6 : i32
      %add3A_71 = arith.addi %add3A_69, %add3A_70 : i32
      %dma_start3A_72 = arith.constant 0 : i32
      %dma_start3A_73 = tpu.memref_slice %arg6[%add3A_71, %dma_start3A_72] : memref<16384x64xf32, #tpu.memory_space<hbm>> -> memref<1x64xf32, #tpu.memory_space<hbm>>
      %dma_start3A_74 = arith.constant 0 : i32
      %dma_start3A_75 = tpu.memref_slice %arg4[%squeeze3A_67, %dma_start3A_74] : memref<1000001x64xf32, #tpu.memory_space<hbm>> -> memref<1x64xf32, #tpu.memory_space<hbm>>
      tpu.enqueue_dma source(%dma_start3A_75 : memref<1x64xf32, #tpu.memory_space<hbm>>) target(%dma_start3A_73 : memref<1x64xf32, #tpu.memory_space<hbm>>) target_semaphore(%arg9 : memref<!tpu.dma_semaphore, #tpu.memory_space<semaphore_mem>>)
      %slice3A_76 = vector.extract_strided_slice %get3A_9 {offsets = [7], sizes = [1], strides = [1]} : vector<16xi32> to vector<1xi32>
      %squeeze3A_77 = vector.extract %slice3A_76[0] : i32 from vector<1xi32>
      %add3A_78 = arith.constant 0 : i32
      %add3A_79 = arith.addi %mul3A_0, %add3A_78 : i32
      %add3A_80 = arith.constant 7 : i32
      %add3A_81 = arith.addi %add3A_79, %add3A_80 : i32
      %dma_start3A_82 = arith.constant 0 : i32
      %dma_start3A_83 = tpu.memref_slice %arg6[%add3A_81, %dma_start3A_82] : memref<16384x64xf32, #tpu.memory_space<hbm>> -> memref<1x64xf32, #tpu.memory_space<hbm>>
      %dma_start3A_84 = arith.constant 0 : i32
      %dma_start3A_85 = tpu.memref_slice %arg4[%squeeze3A_77, %dma_start3A_84] : memref<1000001x64xf32, #tpu.memory_space<hbm>> -> memref<1x64xf32, #tpu.memory_space<hbm>>
      tpu.enqueue_dma source(%dma_start3A_85 : memref<1x64xf32, #tpu.memory_space<hbm>>) target(%dma_start3A_83 : memref<1x64xf32, #tpu.memory_space<hbm>>) target_semaphore(%arg9 : memref<!tpu.dma_semaphore, #tpu.memory_space<semaphore_mem>>)
      %slice3A_86 = vector.extract_strided_slice %get3A_9 {offsets = [8], sizes = [1], strides = [1]} : vector<16xi32> to vector<1xi32>
      %squeeze3A_87 = vector.extract %slice3A_86[0] : i32 from vector<1xi32>
      %add3A_88 = arith.constant 0 : i32
      %add3A_89 = arith.addi %mul3A_0, %add3A_88 : i32
      %add3A_90 = arith.constant 8 : i32
      %add3A_91 = arith.addi %add3A_89, %add3A_90 : i32
      %dma_start3A_92 = arith.constant 0 : i32
      %dma_start3A_93 = tpu.memref_slice %arg6[%add3A_91, %dma_start3A_92] : memref<16384x64xf32, #tpu.memory_space<hbm>> -> memref<1x64xf32, #tpu.memory_space<hbm>>
      %dma_start3A_94 = arith.constant 0 : i32
      %dma_start3A_95 = tpu.memref_slice %arg4[%squeeze3A_87, %dma_start3A_94] : memref<1000001x64xf32, #tpu.memory_space<hbm>> -> memref<1x64xf32, #tpu.memory_space<hbm>>
      tpu.enqueue_dma source(%dma_start3A_95 : memref<1x64xf32, #tpu.memory_space<hbm>>) target(%dma_start3A_93 : memref<1x64xf32, #tpu.memory_space<hbm>>) target_semaphore(%arg9 : memref<!tpu.dma_semaphore, #tpu.memory_space<semaphore_mem>>)
      %slice3A_96 = vector.extract_strided_slice %get3A_9 {offsets = [9], sizes = [1], strides = [1]} : vector<16xi32> to vector<1xi32>
      %squeeze3A_97 = vector.extract %slice3A_96[0] : i32 from vector<1xi32>
      %add3A_98 = arith.constant 0 : i32
      %add3A_99 = arith.addi %mul3A_0, %add3A_98 : i32
      %add3A_100 = arith.constant 9 : i32
      %add3A_101 = arith.addi %add3A_99, %add3A_100 : i32
      %dma_start3A_102 = arith.constant 0 : i32
      %dma_start3A_103 = tpu.memref_slice %arg6[%add3A_101, %dma_start3A_102] : memref<16384x64xf32, #tpu.memory_space<hbm>> -> memref<1x64xf32, #tpu.memory_space<hbm>>
      %dma_start3A_104 = arith.constant 0 : i32
      %dma_start3A_105 = tpu.memref_slice %arg4[%squeeze3A_97, %dma_start3A_104] : memref<1000001x64xf32, #tpu.memory_space<hbm>> -> memref<1x64xf32, #tpu.memory_space<hbm>>
      tpu.enqueue_dma source(%dma_start3A_105 : memref<1x64xf32, #tpu.memory_space<hbm>>) target(%dma_start3A_103 : memref<1x64xf32, #tpu.memory_space<hbm>>) target_semaphore(%arg9 : memref<!tpu.dma_semaphore, #tpu.memory_space<semaphore_mem>>)
      %slice3A_106 = vector.extract_strided_slice %get3A_9 {offsets = [10], sizes = [1], strides = [1]} : vector<16xi32> to vector<1xi32>
      %squeeze3A_107 = vector.extract %slice3A_106[0] : i32 from vector<1xi32>
      %add3A_108 = arith.constant 0 : i32
      %add3A_109 = arith.addi %mul3A_0, %add3A_108 : i32
      %add3A_110 = arith.constant 10 : i32
      %add3A_111 = arith.addi %add3A_109, %add3A_110 : i32
      %dma_start3A_112 = arith.constant 0 : i32
      %dma_start3A_113 = tpu.memref_slice %arg6[%add3A_111, %dma_start3A_112] : memref<16384x64xf32, #tpu.memory_space<hbm>> -> memref<1x64xf32, #tpu.memory_space<hbm>>
      %dma_start3A_114 = arith.constant 0 : i32
      %dma_start3A_115 = tpu.memref_slice %arg4[%squeeze3A_107, %dma_start3A_114] : memref<1000001x64xf32, #tpu.memory_space<hbm>> -> memref<1x64xf32, #tpu.memory_space<hbm>>
      tpu.enqueue_dma source(%dma_start3A_115 : memref<1x64xf32, #tpu.memory_space<hbm>>) target(%dma_start3A_113 : memref<1x64xf32, #tpu.memory_space<hbm>>) target_semaphore(%arg9 : memref<!tpu.dma_semaphore, #tpu.memory_space<semaphore_mem>>)
      %slice3A_116 = vector.extract_strided_slice %get3A_9 {offsets = [11], sizes = [1], strides = [1]} : vector<16xi32> to vector<1xi32>
      %squeeze3A_117 = vector.extract %slice3A_116[0] : i32 from vector<1xi32>
      %add3A_118 = arith.constant 0 : i32
      %add3A_119 = arith.addi %mul3A_0, %add3A_118 : i32
      %add3A_120 = arith.constant 11 : i32
      %add3A_121 = arith.addi %add3A_119, %add3A_120 : i32
      %dma_start3A_122 = arith.constant 0 : i32
      %dma_start3A_123 = tpu.memref_slice %arg6[%add3A_121, %dma_start3A_122] : memref<16384x64xf32, #tpu.memory_space<hbm>> -> memref<1x64xf32, #tpu.memory_space<hbm>>
      %dma_start3A_124 = arith.constant 0 : i32
      %dma_start3A_125 = tpu.memref_slice %arg4[%squeeze3A_117, %dma_start3A_124] : memref<1000001x64xf32, #tpu.memory_space<hbm>> -> memref<1x64xf32, #tpu.memory_space<hbm>>
      tpu.enqueue_dma source(%dma_start3A_125 : memref<1x64xf32, #tpu.memory_space<hbm>>) target(%dma_start3A_123 : memref<1x64xf32, #tpu.memory_space<hbm>>) target_semaphore(%arg9 : memref<!tpu.dma_semaphore, #tpu.memory_space<semaphore_mem>>)
      %slice3A_126 = vector.extract_strided_slice %get3A_9 {offsets = [12], sizes = [1], strides = [1]} : vector<16xi32> to vector<1xi32>
      %squeeze3A_127 = vector.extract %slice3A_126[0] : i32 from vector<1xi32>
      %add3A_128 = arith.constant 0 : i32
      %add3A_129 = arith.addi %mul3A_0, %add3A_128 : i32
      %add3A_130 = arith.constant 12 : i32
      %add3A_131 = arith.addi %add3A_129, %add3A_130 : i32
      %dma_start3A_132 = arith.constant 0 : i32
      %dma_start3A_133 = tpu.memref_slice %arg6[%add3A_131, %dma_start3A_132] : memref<16384x64xf32, #tpu.memory_space<hbm>> -> memref<1x64xf32, #tpu.memory_space<hbm>>
      %dma_start3A_134 = arith.constant 0 : i32
      %dma_start3A_135 = tpu.memref_slice %arg4[%squeeze3A_127, %dma_start3A_134] : memref<1000001x64xf32, #tpu.memory_space<hbm>> -> memref<1x64xf32, #tpu.memory_space<hbm>>
      tpu.enqueue_dma source(%dma_start3A_135 : memref<1x64xf32, #tpu.memory_space<hbm>>) target(%dma_start3A_133 : memref<1x64xf32, #tpu.memory_space<hbm>>) target_semaphore(%arg9 : memref<!tpu.dma_semaphore, #tpu.memory_space<semaphore_mem>>)
      %slice3A_136 = vector.extract_strided_slice %get3A_9 {offsets = [13], sizes = [1], strides = [1]} : vector<16xi32> to vector<1xi32>
      %squeeze3A_137 = vector.extract %slice3A_136[0] : i32 from vector<1xi32>
      %add3A_138 = arith.constant 0 : i32
      %add3A_139 = arith.addi %mul3A_0, %add3A_138 : i32
      %add3A_140 = arith.constant 13 : i32
      %add3A_141 = arith.addi %add3A_139, %add3A_140 : i32
      %dma_start3A_142 = arith.constant 0 : i32
      %dma_start3A_143 = tpu.memref_slice %arg6[%add3A_141, %dma_start3A_142] : memref<16384x64xf32, #tpu.memory_space<hbm>> -> memref<1x64xf32, #tpu.memory_space<hbm>>
      %dma_start3A_144 = arith.constant 0 : i32
      %dma_start3A_145 = tpu.memref_slice %arg4[%squeeze3A_137, %dma_start3A_144] : memref<1000001x64xf32, #tpu.memory_space<hbm>> -> memref<1x64xf32, #tpu.memory_space<hbm>>
      tpu.enqueue_dma source(%dma_start3A_145 : memref<1x64xf32, #tpu.memory_space<hbm>>) target(%dma_start3A_143 : memref<1x64xf32, #tpu.memory_space<hbm>>) target_semaphore(%arg9 : memref<!tpu.dma_semaphore, #tpu.memory_space<semaphore_mem>>)
      %slice3A_146 = vector.extract_strided_slice %get3A_9 {offsets = [14], sizes = [1], strides = [1]} : vector<16xi32> to vector<1xi32>
      %squeeze3A_147 = vector.extract %slice3A_146[0] : i32 from vector<1xi32>
      %add3A_148 = arith.constant 0 : i32
      %add3A_149 = arith.addi %mul3A_0, %add3A_148 : i32
      %add3A_150 = arith.constant 14 : i32
      %add3A_151 = arith.addi %add3A_149, %add3A_150 : i32
      %dma_start3A_152 = arith.constant 0 : i32
      %dma_start3A_153 = tpu.memref_slice %arg6[%add3A_151, %dma_start3A_152] : memref<16384x64xf32, #tpu.memory_space<hbm>> -> memref<1x64xf32, #tpu.memory_space<hbm>>
      %dma_start3A_154 = arith.constant 0 : i32
      %dma_start3A_155 = tpu.memref_slice %arg4[%squeeze3A_147, %dma_start3A_154] : memref<1000001x64xf32, #tpu.memory_space<hbm>> -> memref<1x64xf32, #tpu.memory_space<hbm>>
      tpu.enqueue_dma source(%dma_start3A_155 : memref<1x64xf32, #tpu.memory_space<hbm>>) target(%dma_start3A_153 : memref<1x64xf32, #tpu.memory_space<hbm>>) target_semaphore(%arg9 : memref<!tpu.dma_semaphore, #tpu.memory_space<semaphore_mem>>)
      %slice3A_156 = vector.extract_strided_slice %get3A_9 {offsets = [15], sizes = [1], strides = [1]} : vector<16xi32> to vector<1xi32>
      %squeeze3A_157 = vector.extract %slice3A_156[0] : i32 from vector<1xi32>
      %add3A_158 = arith.constant 0 : i32
      %add3A_159 = arith.addi %mul3A_0, %add3A_158 : i32
      %add3A_160 = arith.constant 15 : i32
      %add3A_161 = arith.addi %add3A_159, %add3A_160 : i32
      %dma_start3A_162 = arith.constant 0 : i32
      %dma_start3A_163 = tpu.memref_slice %arg6[%add3A_161, %dma_start3A_162] : memref<16384x64xf32, #tpu.memory_space<hbm>> -> memref<1x64xf32, #tpu.memory_space<hbm>>
      %dma_start3A_164 = arith.constant 0 : i32
      %dma_start3A_165 = tpu.memref_slice %arg4[%squeeze3A_157, %dma_start3A_164] : memref<1000001x64xf32, #tpu.memory_space<hbm>> -> memref<1x64xf32, #tpu.memory_space<hbm>>
      tpu.enqueue_dma source(%dma_start3A_165 : memref<1x64xf32, #tpu.memory_space<hbm>>) target(%dma_start3A_163 : memref<1x64xf32, #tpu.memory_space<hbm>>) target_semaphore(%arg9 : memref<!tpu.dma_semaphore, #tpu.memory_space<semaphore_mem>>)
      %get3A_166 = arith.constant 16 : index
      %get3A_167 = tpu.vector_load %arg8[%get3A_166] {strides = array<i32>} : memref<1040xi32, #tpu.memory_space<vmem>>, vector<16xi32>,
      %get3A_168 = vector.shape_cast %get3A_167 : vector<16xi32> to vector<16xi32>
      %slice3A_169 = vector.extract_strided_slice %get3A_168 {offsets = [0], sizes = [1], strides = [1]} : vector<16xi32> to vector<1xi32>
      %squeeze3A_170 = vector.extract %slice3A_169[0] : i32 from vector<1xi32>
      %add3A_171 = arith.constant 16 : i32
      %add3A_172 = arith.addi %mul3A_0, %add3A_171 : i32
      %add3A_173 = arith.constant 0 : i32
      %add3A_174 = arith.addi %add3A_172, %add3A_173 : i32
      %dma_start3A_175 = arith.constant 0 : i32
      %dma_start3A_176 = tpu.memref_slice %arg6[%add3A_174, %dma_start3A_175] : memref<16384x64xf32, #tpu.memory_space<hbm>> -> memref<1x64xf32, #tpu.memory_space<hbm>>
      %dma_start3A_177 = arith.constant 0 : i32
      %dma_start3A_178 = tpu.memref_slice %arg4[%squeeze3A_170, %dma_start3A_177] : memref<1000001x64xf32, #tpu.memory_space<hbm>> -> memref<1x64xf32, #tpu.memory_space<hbm>>
      tpu.enqueue_dma source(%dma_start3A_178 : memref<1x64xf32, #tpu.memory_space<hbm>>) target(%dma_start3A_176 : memref<1x64xf32, #tpu.memory_space<hbm>>) target_semaphore(%arg9 : memref<!tpu.dma_semaphore, #tpu.memory_space<semaphore_mem>>)
      %slice3A_179 = vector.extract_strided_slice %get3A_168 {offsets = [1], sizes = [1], strides = [1]} : vector<16xi32> to vector<1xi32>
      %squeeze3A_180 = vector.extract %slice3A_179[0] : i32 from vector<1xi32>
      %add3A_181 = arith.constant 16 : i32
      %add3A_182 = arith.addi %mul3A_0, %add3A_181 : i32
      %add3A_183 = arith.constant 1 : i32
      %add3A_184 = arith.addi %add3A_182, %add3A_183 : i32
      %dma_start3A_185 = arith.constant 0 : i32
      %dma_start3A_186 = tpu.memref_slice %arg6[%add3A_184, %dma_start3A_185] : memref<16384x64xf32, #tpu.memory_space<hbm>> -> memref<1x64xf32, #tpu.memory_space<hbm>>
      %dma_start3A_187 = arith.constant 0 : i32
      %dma_start3A_188 = tpu.memref_slice %arg4[%squeeze3A_180, %dma_start3A_187] : memref<1000001x64xf32, #tpu.memory_space<hbm>> -> memref<1x64xf32, #tpu.memory_space<hbm>>
      tpu.enqueue_dma source(%dma_start3A_188 : memref<1x64xf32, #tpu.memory_space<hbm>>) target(%dma_start3A_186 : memref<1x64xf32, #tpu.memory_space<hbm>>) target_semaphore(%arg9 : memref<!tpu.dma_semaphore, #tpu.memory_space<semaphore_mem>>)
      %slice3A_189 = vector.extract_strided_slice %get3A_168 {offsets = [2], sizes = [1], strides = [1]} : vector<16xi32> to vector<1xi32>
      %squeeze3A_190 = vector.extract %slice3A_189[0] : i32 from vector<1xi32>
      %add3A_191 = arith.constant 16 : i32
      %add3A_192 = arith.addi %mul3A_0, %add3A_191 : i32
      %add3A_193 = arith.constant 2 : i32
      %add3A_194 = arith.addi %add3A_192, %add3A_193 : i32
      %dma_start3A_195 = arith.constant 0 : i32
      %dma_start3A_196 = tpu.memref_slice %arg6[%add3A_194, %dma_start3A_195] : memref<16384x64xf32, #tpu.memory_space<hbm>> -> memref<1x64xf32, #tpu.memory_space<hbm>>
      %dma_start3A_197 = arith.constant 0 : i32
      %dma_start3A_198 = tpu.memref_slice %arg4[%squeeze3A_190, %dma_start3A_197] : memref<1000001x64xf32, #tpu.memory_space<hbm>> -> memref<1x64xf32, #tpu.memory_space<hbm>>
      tpu.enqueue_dma source(%dma_start3A_198 : memref<1x64xf32, #tpu.memory_space<hbm>>) target(%dma_start3A_196 : memref<1x64xf32, #tpu.memory_space<hbm>>) target_semaphore(%arg9 : memref<!tpu.dma_semaphore, #tpu.memory_space<semaphore_mem>>)
      %slice3A_199 = vector.extract_strided_slice %get3A_168 {offsets = [3], sizes = [1], strides = [1]} : vector<16xi32> to vector<1xi32>
      %squeeze3A_200 = vector.extract %slice3A_199[0] : i32 from vector<1xi32>
      %add3A_201 = arith.constant 16 : i32
      %add3A_202 = arith.addi %mul3A_0, %add3A_201 : i32
      %add3A_203 = arith.constant 3 : i32
      %add3A_204 = arith.addi %add3A_202, %add3A_203 : i32
      %dma_start3A_205 = arith.constant 0 : i32
      %dma_start3A_206 = tpu.memref_slice %arg6[%add3A_204, %dma_start3A_205] : memref<16384x64xf32, #tpu.memory_space<hbm>> -> memref<1x64xf32, #tpu.memory_space<hbm>>
      %dma_start3A_207 = arith.constant 0 : i32
      %dma_start3A_208 = tpu.memref_slice %arg4[%squeeze3A_200, %dma_start3A_207] : memref<1000001x64xf32, #tpu.memory_space<hbm>> -> memref<1x64xf32, #tpu.memory_space<hbm>>
      tpu.enqueue_dma source(%dma_start3A_208 : memref<1x64xf32, #tpu.memory_space<hbm>>) target(%dma_start3A_206 : memref<1x64xf32, #tpu.memory_space<hbm>>) target_semaphore(%arg9 : memref<!tpu.dma_semaphore, #tpu.memory_space<semaphore_mem>>)
      %slice3A_209 = vector.extract_strided_slice %get3A_168 {offsets = [4], sizes = [1], strides = [1]} : vector<16xi32> to vector<1xi32>
      %squeeze3A_210 = vector.extract %slice3A_209[0] : i32 from vector<1xi32>
      %add3A_211 = arith.constant 16 : i32
      %add3A_212 = arith.addi %mul3A_0, %add3A_211 : i32
      %add3A_213 = arith.constant 4 : i32
      %add3A_214 = arith.addi %add3A_212, %add3A_213 : i32
      %dma_start3A_215 = arith.constant 0 : i32
      %dma_start3A_216 = tpu.memref_slice %arg6[%add3A_214, %dma_start3A_215] : memref<16384x64xf32, #tpu.memory_space<hbm>> -> memref<1x64xf32, #tpu.memory_space<hbm>>
      %dma_start3A_217 = arith.constant 0 : i32
      %dma_start3A_218 = tpu.memref_slice %arg4[%squeeze3A_210, %dma_start3A_217] : memref<1000001x64xf32, #tpu.memory_space<hbm>> -> memref<1x64xf32, #tpu.memory_space<hbm>>
      tpu.enqueue_dma source(%dma_start3A_218 : memref<1x64xf32, #tpu.memory_space<hbm>>) target(%dma_start3A_216 : memref<1x64xf32, #tpu.memory_space<hbm>>) target_semaphore(%arg9 : memref<!tpu.dma_semaphore, #tpu.memory_space<semaphore_mem>>)
      %slice3A_219 = vector.extract_strided_slice %get3A_168 {offsets = [5], sizes = [1], strides = [1]} : vector<16xi32> to vector<1xi32>
      %squeeze3A_220 = vector.extract %slice3A_219[0] : i32 from vector<1xi32>
      %add3A_221 = arith.constant 16 : i32
      %add3A_222 = arith.addi %mul3A_0, %add3A_221 : i32
      %add3A_223 = arith.constant 5 : i32
      %add3A_224 = arith.addi %add3A_222, %add3A_223 : i32
      %dma_start3A_225 = arith.constant 0 : i32
      %dma_start3A_226 = tpu.memref_slice %arg6[%add3A_224, %dma_start3A_225] : memref<16384x64xf32, #tpu.memory_space<hbm>> -> memref<1x64xf32, #tpu.memory_space<hbm>>
      %dma_start3A_227 = arith.constant 0 : i32
      %dma_start3A_228 = tpu.memref_slice %arg4[%squeeze3A_220, %dma_start3A_227] : memref<1000001x64xf32, #tpu.memory_space<hbm>> -> memref<1x64xf32, #tpu.memory_space<hbm>>
      tpu.enqueue_dma source(%dma_start3A_228 : memref<1x64xf32, #tpu.memory_space<hbm>>) target(%dma_start3A_226 : memref<1x64xf32, #tpu.memory_space<hbm>>) target_semaphore(%arg9 : memref<!tpu.dma_semaphore, #tpu.memory_space<semaphore_mem>>)
      %slice3A_229 = vector.extract_strided_slice %get3A_168 {offsets = [6], sizes = [1], strides = [1]} : vector<16xi32> to vector<1xi32>
      %squeeze3A_230 = vector.extract %slice3A_229[0] : i32 from vector<1xi32>
      %add3A_231 = arith.constant 16 : i32
      %add3A_232 = arith.addi %mul3A_0, %add3A_231 : i32
      %add3A_233 = arith.constant 6 : i32
      %add3A_234 = arith.addi %add3A_232, %add3A_233 : i32
      %dma_start3A_235 = arith.constant 0 : i32
      %dma_start3A_236 = tpu.memref_slice %arg6[%add3A_234, %dma_start3A_235] : memref<16384x64xf32, #tpu.memory_space<hbm>> -> memref<1x64xf32, #tpu.memory_space<hbm>>
      %dma_start3A_237 = arith.constant 0 : i32
      %dma_start3A_238 = tpu.memref_slice %arg4[%squeeze3A_230, %dma_start3A_237] : memref<1000001x64xf32, #tpu.memory_space<hbm>> -> memref<1x64xf32, #tpu.memory_space<hbm>>
      tpu.enqueue_dma source(%dma_start3A_238 : memref<1x64xf32, #tpu.memory_space<hbm>>) target(%dma_start3A_236 : memref<1x64xf32, #tpu.memory_space<hbm>>) target_semaphore(%arg9 : memref<!tpu.dma_semaphore, #tpu.memory_space<semaphore_mem>>)
      %slice3A_239 = vector.extract_strided_slice %get3A_168 {offsets = [7], sizes = [1], strides = [1]} : vector<16xi32> to vector<1xi32>
      %squeeze3A_240 = vector.extract %slice3A_239[0] : i32 from vector<1xi32>
      %add3A_241 = arith.constant 16 : i32
      %add3A_242 = arith.addi %mul3A_0, %add3A_241 : i32
      %add3A_243 = arith.constant 7 : i32
      %add3A_244 = arith.addi %add3A_242, %add3A_243 : i32
      %dma_start3A_245 = arith.constant 0 : i32
      %dma_start3A_246 = tpu.memref_slice %arg6[%add3A_244, %dma_start3A_245] : memref<16384x64xf32, #tpu.memory_space<hbm>> -> memref<1x64xf32, #tpu.memory_space<hbm>>
      %dma_start3A_247 = arith.constant 0 : i32
      %dma_start3A_248 = tpu.memref_slice %arg4[%squeeze3A_240, %dma_start3A_247] : memref<1000001x64xf32, #tpu.memory_space<hbm>> -> memref<1x64xf32, #tpu.memory_space<hbm>>
      tpu.enqueue_dma source(%dma_start3A_248 : memref<1x64xf32, #tpu.memory_space<hbm>>) target(%dma_start3A_246 : memref<1x64xf32, #tpu.memory_space<hbm>>) target_semaphore(%arg9 : memref<!tpu.dma_semaphore, #tpu.memory_space<semaphore_mem>>)
      %slice3A_249 = vector.extract_strided_slice %get3A_168 {offsets = [8], sizes = [1], strides = [1]} : vector<16xi32> to vector<1xi32>
      %squeeze3A_250 = vector.extract %slice3A_249[0] : i32 from vector<1xi32>
      %add3A_251 = arith.constant 16 : i32
      %add3A_252 = arith.addi %mul3A_0, %add3A_251 : i32
      %add3A_253 = arith.constant 8 : i32
      %add3A_254 = arith.addi %add3A_252, %add3A_253 : i32
      %dma_start3A_255 = arith.constant 0 : i32
      %dma_start3A_256 = tpu.memref_slice %arg6[%add3A_254, %dma_start3A_255] : memref<16384x64xf32, #tpu.memory_space<hbm>> -> memref<1x64xf32, #tpu.memory_space<hbm>>
      %dma_start3A_257 = arith.constant 0 : i32
      %dma_start3A_258 = tpu.memref_slice %arg4[%squeeze3A_250, %dma_start3A_257] : memref<1000001x64xf32, #tpu.memory_space<hbm>> -> memref<1x64xf32, #tpu.memory_space<hbm>>
      tpu.enqueue_dma source(%dma_start3A_258 : memref<1x64xf32, #tpu.memory_space<hbm>>) target(%dma_start3A_256 : memref<1x64xf32, #tpu.memory_space<hbm>>) target_semaphore(%arg9 : memref<!tpu.dma_semaphore, #tpu.memory_space<semaphore_mem>>)
      %slice3A_259 = vector.extract_strided_slice %get3A_168 {offsets = [9], sizes = [1], strides = [1]} : vector<16xi32> to vector<1xi32>
      %squeeze3A_260 = vector.extract %slice3A_259[0] : i32 from vector<1xi32>
      %add3A_261 = arith.constant 16 : i32
      %add3A_262 = arith.addi %mul3A_0, %add3A_261 : i32
      %add3A_263 = arith.constant 9 : i32
      %add3A_264 = arith.addi %add3A_262, %add3A_263 : i32
      %dma_start3A_265 = arith.constant 0 : i32
      %dma_start3A_266 = tpu.memref_slice %arg6[%add3A_264, %dma_start3A_265] : memref<16384x64xf32, #tpu.memory_space<hbm>> -> memref<1x64xf32, #tpu.memory_space<hbm>>
      %dma_start3A_267 = arith.constant 0 : i32
      %dma_start3A_268 = tpu.memref_slice %arg4[%squeeze3A_260, %dma_start3A_267] : memref<1000001x64xf32, #tpu.memory_space<hbm>> -> memref<1x64xf32, #tpu.memory_space<hbm>>
      tpu.enqueue_dma source(%dma_start3A_268 : memref<1x64xf32, #tpu.memory_space<hbm>>) target(%dma_start3A_266 : memref<1x64xf32, #tpu.memory_space<hbm>>) target_semaphore(%arg9 : memref<!tpu.dma_semaphore, #tpu.memory_space<semaphore_mem>>)
      %slice3A_269 = vector.extract_strided_slice %get3A_168 {offsets = [10], sizes = [1], strides = [1]} : vector<16xi32> to vector<1xi32>
      %squeeze3A_270 = vector.extract %slice3A_269[0] : i32 from vector<1xi32>
      %add3A_271 = arith.constant 16 : i32
      %add3A_272 = arith.addi %mul3A_0, %add3A_271 : i32
      %add3A_273 = arith.constant 10 : i32
      %add3A_274 = arith.addi %add3A_272, %add3A_273 : i32
      %dma_start3A_275 = arith.constant 0 : i32
      %dma_start3A_276 = tpu.memref_slice %arg6[%add3A_274, %dma_start3A_275] : memref<16384x64xf32, #tpu.memory_space<hbm>> -> memref<1x64xf32, #tpu.memory_space<hbm>>
      %dma_start3A_277 = arith.constant 0 : i32
      %dma_start3A_278 = tpu.memref_slice %arg4[%squeeze3A_270, %dma_start3A_277] : memref<1000001x64xf32, #tpu.memory_space<hbm>> -> memref<1x64xf32, #tpu.memory_space<hbm>>
      tpu.enqueue_dma source(%dma_start3A_278 : memref<1x64xf32, #tpu.memory_space<hbm>>) target(%dma_start3A_276 : memref<1x64xf32, #tpu.memory_space<hbm>>) target_semaphore(%arg9 : memref<!tpu.dma_semaphore, #tpu.memory_space<semaphore_mem>>)
      %slice3A_279 = vector.extract_strided_slice %get3A_168 {offsets = [11], sizes = [1], strides = [1]} : vector<16xi32> to vector<1xi32>
      %squeeze3A_280 = vector.extract %slice3A_279[0] : i32 from vector<1xi32>
      %add3A_281 = arith.constant 16 : i32
      %add3A_282 = arith.addi %mul3A_0, %add3A_281 : i32
      %add3A_283 = arith.constant 11 : i32
      %add3A_284 = arith.addi %add3A_282, %add3A_283 : i32
      %dma_start3A_285 = arith.constant 0 : i32
      %dma_start3A_286 = tpu.memref_slice %arg6[%add3A_284, %dma_start3A_285] : memref<16384x64xf32, #tpu.memory_space<hbm>> -> memref<1x64xf32, #tpu.memory_space<hbm>>
      %dma_start3A_287 = arith.constant 0 : i32
      %dma_start3A_288 = tpu.memref_slice %arg4[%squeeze3A_280, %dma_start3A_287] : memref<1000001x64xf32, #tpu.memory_space<hbm>> -> memref<1x64xf32, #tpu.memory_space<hbm>>
      tpu.enqueue_dma source(%dma_start3A_288 : memref<1x64xf32, #tpu.memory_space<hbm>>) target(%dma_start3A_286 : memref<1x64xf32, #tpu.memory_space<hbm>>) target_semaphore(%arg9 : memref<!tpu.dma_semaphore, #tpu.memory_space<semaphore_mem>>)
      %slice3A_289 = vector.extract_strided_slice %get3A_168 {offsets = [12], sizes = [1], strides = [1]} : vector<16xi32> to vector<1xi32>
      %squeeze3A_290 = vector.extract %slice3A_289[0] : i32 from vector<1xi32>
      %add3A_291 = arith.constant 16 : i32
      %add3A_292 = arith.addi %mul3A_0, %add3A_291 : i32
      %add3A_293 = arith.constant 12 : i32
      %add3A_294 = arith.addi %add3A_292, %add3A_293 : i32
      %dma_start3A_295 = arith.constant 0 : i32
      %dma_start3A_296 = tpu.memref_slice %arg6[%add3A_294, %dma_start3A_295] : memref<16384x64xf32, #tpu.memory_space<hbm>> -> memref<1x64xf32, #tpu.memory_space<hbm>>
      %dma_start3A_297 = arith.constant 0 : i32
      %dma_start3A_298 = tpu.memref_slice %arg4[%squeeze3A_290, %dma_start3A_297] : memref<1000001x64xf32, #tpu.memory_space<hbm>> -> memref<1x64xf32, #tpu.memory_space<hbm>>
      tpu.enqueue_dma source(%dma_start3A_298 : memref<1x64xf32, #tpu.memory_space<hbm>>) target(%dma_start3A_296 : memref<1x64xf32, #tpu.memory_space<hbm>>) target_semaphore(%arg9 : memref<!tpu.dma_semaphore, #tpu.memory_space<semaphore_mem>>)
      %slice3A_299 = vector.extract_strided_slice %get3A_168 {offsets = [13], sizes = [1], strides = [1]} : vector<16xi32> to vector<1xi32>
      %squeeze3A_300 = vector.extract %slice3A_299[0] : i32 from vector<1xi32>
      %add3A_301 = arith.constant 16 : i32
      %add3A_302 = arith.addi %mul3A_0, %add3A_301 : i32
      %add3A_303 = arith.constant 13 : i32
      %add3A_304 = arith.addi %add3A_302, %add3A_303 : i32
      %dma_start3A_305 = arith.constant 0 : i32
      %dma_start3A_306 = tpu.memref_slice %arg6[%add3A_304, %dma_start3A_305] : memref<16384x64xf32, #tpu.memory_space<hbm>> -> memref<1x64xf32, #tpu.memory_space<hbm>>
      %dma_start3A_307 = arith.constant 0 : i32
      %dma_start3A_308 = tpu.memref_slice %arg4[%squeeze3A_300, %dma_start3A_307] : memref<1000001x64xf32, #tpu.memory_space<hbm>> -> memref<1x64xf32, #tpu.memory_space<hbm>>
      tpu.enqueue_dma source(%dma_start3A_308 : memref<1x64xf32, #tpu.memory_space<hbm>>) target(%dma_start3A_306 : memref<1x64xf32, #tpu.memory_space<hbm>>) target_semaphore(%arg9 : memref<!tpu.dma_semaphore, #tpu.memory_space<semaphore_mem>>)
      %slice3A_309 = vector.extract_strided_slice %get3A_168 {offsets = [14], sizes = [1], strides = [1]} : vector<16xi32> to vector<1xi32>
      %squeeze3A_310 = vector.extract %slice3A_309[0] : i32 from vector<1xi32>
      %add3A_311 = arith.constant 16 : i32
      %add3A_312 = arith.addi %mul3A_0, %add3A_311 : i32
      %add3A_313 = arith.constant 14 : i32
      %add3A_314 = arith.addi %add3A_312, %add3A_313 : i32
      %dma_start3A_315 = arith.constant 0 : i32
      %dma_start3A_316 = tpu.memref_slice %arg6[%add3A_314, %dma_start3A_315] : memref<16384x64xf32, #tpu.memory_space<hbm>> -> memref<1x64xf32, #tpu.memory_space<hbm>>
      %dma_start3A_317 = arith.constant 0 : i32
      %dma_start3A_318 = tpu.memref_slice %arg4[%squeeze3A_310, %dma_start3A_317] : memref<1000001x64xf32, #tpu.memory_space<hbm>> -> memref<1x64xf32, #tpu.memory_space<hbm>>
      tpu.enqueue_dma source(%dma_start3A_318 : memref<1x64xf32, #tpu.memory_space<hbm>>) target(%dma_start3A_316 : memref<1x64xf32, #tpu.memory_space<hbm>>) target_semaphore(%arg9 : memref<!tpu.dma_semaphore, #tpu.memory_space<semaphore_mem>>)
      %slice3A_319 = vector.extract_strided_slice %get3A_168 {offsets = [15], sizes = [1], strides = [1]} : vector<16xi32> to vector<1xi32>
      %squeeze3A_320 = vector.extract %slice3A_319[0] : i32 from vector<1xi32>
      %add3A_321 = arith.constant 16 : i32
      %add3A_322 = arith.addi %mul3A_0, %add3A_321 : i32
      %add3A_323 = arith.constant 15 : i32
      %add3A_324 = arith.addi %add3A_322, %add3A_323 : i32
      %dma_start3A_325 = arith.constant 0 : i32
      %dma_start3A_326 = tpu.memref_slice %arg6[%add3A_324, %dma_start3A_325] : memref<16384x64xf32, #tpu.memory_space<hbm>> -> memref<1x64xf32, #tpu.memory_space<hbm>>
      %dma_start3A_327 = arith.constant 0 : i32
      %dma_start3A_328 = tpu.memref_slice %arg4[%squeeze3A_320, %dma_start3A_327] : memref<1000001x64xf32, #tpu.memory_space<hbm>> -> memref<1x64xf32, #tpu.memory_space<hbm>>
      tpu.enqueue_dma source(%dma_start3A_328 : memref<1x64xf32, #tpu.memory_space<hbm>>) target(%dma_start3A_326 : memref<1x64xf32, #tpu.memory_space<hbm>>) target_semaphore(%arg9 : memref<!tpu.dma_semaphore, #tpu.memory_space<semaphore_mem>>)
      %scan3A = arith.constant 0 : i32
      %scan3A_329 = arith.constant 2 : i32
      %scan3A_330 = arith.constant 62 : i32
      %scan3A_331 = arith.addi %scan3A_329, %scan3A_330 : i32
      %scan3A_332 = arith.constant 1 : i32
      scf.for %scan3A_343 = %scan3A_329 to %scan3A_331 step %scan3A_332  : i32 {
        %mul3A_344 = arith.constant 16 : i32
        %mul3A_345 = arith.muli %scan3A_343, %mul3A_344 : i32
        %get3A_346 = arith.index_cast %mul3A_345 : i32 to index
        %get3A_347 = tpu.vector_load %arg8[%get3A_346] {strides = array<i32>} : memref<1040xi32, #tpu.memory_space<vmem>>, vector<16xi32>,
        %get3A_348 = vector.shape_cast %get3A_347 : vector<16xi32> to vector<16xi32>
        %slice3A_349 = vector.extract_strided_slice %get3A_348 {offsets = [0], sizes = [1], strides = [1]} : vector<16xi32> to vector<1xi32>
        %squeeze3A_350 = vector.extract %slice3A_349[0] : i32 from vector<1xi32>
        %add3A_351 = arith.addi %mul3A_0, %mul3A_345 : i32
        %add3A_352 = arith.constant 0 : i32
        %add3A_353 = arith.addi %add3A_351, %add3A_352 : i32
        %dma_start3A_354 = arith.constant 0 : i32
        %dma_start3A_355 = tpu.memref_slice %arg6[%add3A_353, %dma_start3A_354] : memref<16384x64xf32, #tpu.memory_space<hbm>> -> memref<1x64xf32, #tpu.memory_space<hbm>>
        %dma_start3A_356 = arith.constant 0 : i32
        %dma_start3A_357 = tpu.memref_slice %arg4[%squeeze3A_350, %dma_start3A_356] : memref<1000001x64xf32, #tpu.memory_space<hbm>> -> memref<1x64xf32, #tpu.memory_space<hbm>>
        tpu.enqueue_dma source(%dma_start3A_357 : memref<1x64xf32, #tpu.memory_space<hbm>>) target(%dma_start3A_355 : memref<1x64xf32, #tpu.memory_space<hbm>>) target_semaphore(%arg9 : memref<!tpu.dma_semaphore, #tpu.memory_space<semaphore_mem>>)
        %slice3A_358 = vector.extract_strided_slice %get3A_348 {offsets = [1], sizes = [1], strides = [1]} : vector<16xi32> to vector<1xi32>
        %squeeze3A_359 = vector.extract %slice3A_358[0] : i32 from vector<1xi32>
        %add3A_360 = arith.addi %mul3A_0, %mul3A_345 : i32
        %add3A_361 = arith.constant 1 : i32
        %add3A_362 = arith.addi %add3A_360, %add3A_361 : i32
        %dma_start3A_363 = arith.constant 0 : i32
        %dma_start3A_364 = tpu.memref_slice %arg6[%add3A_362, %dma_start3A_363] : memref<16384x64xf32, #tpu.memory_space<hbm>> -> memref<1x64xf32, #tpu.memory_space<hbm>>
        %dma_start3A_365 = arith.constant 0 : i32
        %dma_start3A_366 = tpu.memref_slice %arg4[%squeeze3A_359, %dma_start3A_365] : memref<1000001x64xf32, #tpu.memory_space<hbm>> -> memref<1x64xf32, #tpu.memory_space<hbm>>
        tpu.enqueue_dma source(%dma_start3A_366 : memref<1x64xf32, #tpu.memory_space<hbm>>) target(%dma_start3A_364 : memref<1x64xf32, #tpu.memory_space<hbm>>) target_semaphore(%arg9 : memref<!tpu.dma_semaphore, #tpu.memory_space<semaphore_mem>>)
        %slice3A_367 = vector.extract_strided_slice %get3A_348 {offsets = [2], sizes = [1], strides = [1]} : vector<16xi32> to vector<1xi32>
        %squeeze3A_368 = vector.extract %slice3A_367[0] : i32 from vector<1xi32>
        %add3A_369 = arith.addi %mul3A_0, %mul3A_345 : i32
        %add3A_370 = arith.constant 2 : i32
        %add3A_371 = arith.addi %add3A_369, %add3A_370 : i32
        %dma_start3A_372 = arith.constant 0 : i32
        %dma_start3A_373 = tpu.memref_slice %arg6[%add3A_371, %dma_start3A_372] : memref<16384x64xf32, #tpu.memory_space<hbm>> -> memref<1x64xf32, #tpu.memory_space<hbm>>
        %dma_start3A_374 = arith.constant 0 : i32
        %dma_start3A_375 = tpu.memref_slice %arg4[%squeeze3A_368, %dma_start3A_374] : memref<1000001x64xf32, #tpu.memory_space<hbm>> -> memref<1x64xf32, #tpu.memory_space<hbm>>
        tpu.enqueue_dma source(%dma_start3A_375 : memref<1x64xf32, #tpu.memory_space<hbm>>) target(%dma_start3A_373 : memref<1x64xf32, #tpu.memory_space<hbm>>) target_semaphore(%arg9 : memref<!tpu.dma_semaphore, #tpu.memory_space<semaphore_mem>>)
        %slice3A_376 = vector.extract_strided_slice %get3A_348 {offsets = [3], sizes = [1], strides = [1]} : vector<16xi32> to vector<1xi32>
        %squeeze3A_377 = vector.extract %slice3A_376[0] : i32 from vector<1xi32>
        %add3A_378 = arith.addi %mul3A_0, %mul3A_345 : i32
        %add3A_379 = arith.constant 3 : i32
        %add3A_380 = arith.addi %add3A_378, %add3A_379 : i32
        %dma_start3A_381 = arith.constant 0 : i32
        %dma_start3A_382 = tpu.memref_slice %arg6[%add3A_380, %dma_start3A_381] : memref<16384x64xf32, #tpu.memory_space<hbm>> -> memref<1x64xf32, #tpu.memory_space<hbm>>
        %dma_start3A_383 = arith.constant 0 : i32
        %dma_start3A_384 = tpu.memref_slice %arg4[%squeeze3A_377, %dma_start3A_383] : memref<1000001x64xf32, #tpu.memory_space<hbm>> -> memref<1x64xf32, #tpu.memory_space<hbm>>
        tpu.enqueue_dma source(%dma_start3A_384 : memref<1x64xf32, #tpu.memory_space<hbm>>) target(%dma_start3A_382 : memref<1x64xf32, #tpu.memory_space<hbm>>) target_semaphore(%arg9 : memref<!tpu.dma_semaphore, #tpu.memory_space<semaphore_mem>>)
        %slice3A_385 = vector.extract_strided_slice %get3A_348 {offsets = [4], sizes = [1], strides = [1]} : vector<16xi32> to vector<1xi32>
        %squeeze3A_386 = vector.extract %slice3A_385[0] : i32 from vector<1xi32>
        %add3A_387 = arith.addi %mul3A_0, %mul3A_345 : i32
        %add3A_388 = arith.constant 4 : i32
        %add3A_389 = arith.addi %add3A_387, %add3A_388 : i32
        %dma_start3A_390 = arith.constant 0 : i32
        %dma_start3A_391 = tpu.memref_slice %arg6[%add3A_389, %dma_start3A_390] : memref<16384x64xf32, #tpu.memory_space<hbm>> -> memref<1x64xf32, #tpu.memory_space<hbm>>
        %dma_start3A_392 = arith.constant 0 : i32
        %dma_start3A_393 = tpu.memref_slice %arg4[%squeeze3A_386, %dma_start3A_392] : memref<1000001x64xf32, #tpu.memory_space<hbm>> -> memref<1x64xf32, #tpu.memory_space<hbm>>
        tpu.enqueue_dma source(%dma_start3A_393 : memref<1x64xf32, #tpu.memory_space<hbm>>) target(%dma_start3A_391 : memref<1x64xf32, #tpu.memory_space<hbm>>) target_semaphore(%arg9 : memref<!tpu.dma_semaphore, #tpu.memory_space<semaphore_mem>>)
        %slice3A_394 = vector.extract_strided_slice %get3A_348 {offsets = [5], sizes = [1], strides = [1]} : vector<16xi32> to vector<1xi32>
        %squeeze3A_395 = vector.extract %slice3A_394[0] : i32 from vector<1xi32>
        %add3A_396 = arith.addi %mul3A_0, %mul3A_345 : i32
        %add3A_397 = arith.constant 5 : i32
        %add3A_398 = arith.addi %add3A_396, %add3A_397 : i32
        %dma_start3A_399 = arith.constant 0 : i32
        %dma_start3A_400 = tpu.memref_slice %arg6[%add3A_398, %dma_start3A_399] : memref<16384x64xf32, #tpu.memory_space<hbm>> -> memref<1x64xf32, #tpu.memory_space<hbm>>
        %dma_start3A_401 = arith.constant 0 : i32
        %dma_start3A_402 = tpu.memref_slice %arg4[%squeeze3A_395, %dma_start3A_401] : memref<1000001x64xf32, #tpu.memory_space<hbm>> -> memref<1x64xf32, #tpu.memory_space<hbm>>
        tpu.enqueue_dma source(%dma_start3A_402 : memref<1x64xf32, #tpu.memory_space<hbm>>) target(%dma_start3A_400 : memref<1x64xf32, #tpu.memory_space<hbm>>) target_semaphore(%arg9 : memref<!tpu.dma_semaphore, #tpu.memory_space<semaphore_mem>>)
        %slice3A_403 = vector.extract_strided_slice %get3A_348 {offsets = [6], sizes = [1], strides = [1]} : vector<16xi32> to vector<1xi32>
        %squeeze3A_404 = vector.extract %slice3A_403[0] : i32 from vector<1xi32>
        %add3A_405 = arith.addi %mul3A_0, %mul3A_345 : i32
        %add3A_406 = arith.constant 6 : i32
        %add3A_407 = arith.addi %add3A_405, %add3A_406 : i32
        %dma_start3A_408 = arith.constant 0 : i32
        %dma_start3A_409 = tpu.memref_slice %arg6[%add3A_407, %dma_start3A_408] : memref<16384x64xf32, #tpu.memory_space<hbm>> -> memref<1x64xf32, #tpu.memory_space<hbm>>
        %dma_start3A_410 = arith.constant 0 : i32
        %dma_start3A_411 = tpu.memref_slice %arg4[%squeeze3A_404, %dma_start3A_410] : memref<1000001x64xf32, #tpu.memory_space<hbm>> -> memref<1x64xf32, #tpu.memory_space<hbm>>
        tpu.enqueue_dma source(%dma_start3A_411 : memref<1x64xf32, #tpu.memory_space<hbm>>) target(%dma_start3A_409 : memref<1x64xf32, #tpu.memory_space<hbm>>) target_semaphore(%arg9 : memref<!tpu.dma_semaphore, #tpu.memory_space<semaphore_mem>>)
        %slice3A_412 = vector.extract_strided_slice %get3A_348 {offsets = [7], sizes = [1], strides = [1]} : vector<16xi32> to vector<1xi32>
        %squeeze3A_413 = vector.extract %slice3A_412[0] : i32 from vector<1xi32>
        %add3A_414 = arith.addi %mul3A_0, %mul3A_345 : i32
        %add3A_415 = arith.constant 7 : i32
        %add3A_416 = arith.addi %add3A_414, %add3A_415 : i32
        %dma_start3A_417 = arith.constant 0 : i32
        %dma_start3A_418 = tpu.memref_slice %arg6[%add3A_416, %dma_start3A_417] : memref<16384x64xf32, #tpu.memory_space<hbm>> -> memref<1x64xf32, #tpu.memory_space<hbm>>
        %dma_start3A_419 = arith.constant 0 : i32
        %dma_start3A_420 = tpu.memref_slice %arg4[%squeeze3A_413, %dma_start3A_419] : memref<1000001x64xf32, #tpu.memory_space<hbm>> -> memref<1x64xf32, #tpu.memory_space<hbm>>
        tpu.enqueue_dma source(%dma_start3A_420 : memref<1x64xf32, #tpu.memory_space<hbm>>) target(%dma_start3A_418 : memref<1x64xf32, #tpu.memory_space<hbm>>) target_semaphore(%arg9 : memref<!tpu.dma_semaphore, #tpu.memory_space<semaphore_mem>>)
        %slice3A_421 = vector.extract_strided_slice %get3A_348 {offsets = [8], sizes = [1], strides = [1]} : vector<16xi32> to vector<1xi32>
        %squeeze3A_422 = vector.extract %slice3A_421[0] : i32 from vector<1xi32>
        %add3A_423 = arith.addi %mul3A_0, %mul3A_345 : i32
        %add3A_424 = arith.constant 8 : i32
        %add3A_425 = arith.addi %add3A_423, %add3A_424 : i32
        %dma_start3A_426 = arith.constant 0 : i32
        %dma_start3A_427 = tpu.memref_slice %arg6[%add3A_425, %dma_start3A_426] : memref<16384x64xf32, #tpu.memory_space<hbm>> -> memref<1x64xf32, #tpu.memory_space<hbm>>
        %dma_start3A_428 = arith.constant 0 : i32
        %dma_start3A_429 = tpu.memref_slice %arg4[%squeeze3A_422, %dma_start3A_428] : memref<1000001x64xf32, #tpu.memory_space<hbm>> -> memref<1x64xf32, #tpu.memory_space<hbm>>
        tpu.enqueue_dma source(%dma_start3A_429 : memref<1x64xf32, #tpu.memory_space<hbm>>) target(%dma_start3A_427 : memref<1x64xf32, #tpu.memory_space<hbm>>) target_semaphore(%arg9 : memref<!tpu.dma_semaphore, #tpu.memory_space<semaphore_mem>>)
        %slice3A_430 = vector.extract_strided_slice %get3A_348 {offsets = [9], sizes = [1], strides = [1]} : vector<16xi32> to vector<1xi32>
        %squeeze3A_431 = vector.extract %slice3A_430[0] : i32 from vector<1xi32>
        %add3A_432 = arith.addi %mul3A_0, %mul3A_345 : i32
        %add3A_433 = arith.constant 9 : i32
        %add3A_434 = arith.addi %add3A_432, %add3A_433 : i32
        %dma_start3A_435 = arith.constant 0 : i32
        %dma_start3A_436 = tpu.memref_slice %arg6[%add3A_434, %dma_start3A_435] : memref<16384x64xf32, #tpu.memory_space<hbm>> -> memref<1x64xf32, #tpu.memory_space<hbm>>
        %dma_start3A_437 = arith.constant 0 : i32
        %dma_start3A_438 = tpu.memref_slice %arg4[%squeeze3A_431, %dma_start3A_437] : memref<1000001x64xf32, #tpu.memory_space<hbm>> -> memref<1x64xf32, #tpu.memory_space<hbm>>
        tpu.enqueue_dma source(%dma_start3A_438 : memref<1x64xf32, #tpu.memory_space<hbm>>) target(%dma_start3A_436 : memref<1x64xf32, #tpu.memory_space<hbm>>) target_semaphore(%arg9 : memref<!tpu.dma_semaphore, #tpu.memory_space<semaphore_mem>>)
        %slice3A_439 = vector.extract_strided_slice %get3A_348 {offsets = [10], sizes = [1], strides = [1]} : vector<16xi32> to vector<1xi32>
        %squeeze3A_440 = vector.extract %slice3A_439[0] : i32 from vector<1xi32>
        %add3A_441 = arith.addi %mul3A_0, %mul3A_345 : i32
        %add3A_442 = arith.constant 10 : i32
        %add3A_443 = arith.addi %add3A_441, %add3A_442 : i32
        %dma_start3A_444 = arith.constant 0 : i32
        %dma_start3A_445 = tpu.memref_slice %arg6[%add3A_443, %dma_start3A_444] : memref<16384x64xf32, #tpu.memory_space<hbm>> -> memref<1x64xf32, #tpu.memory_space<hbm>>
        %dma_start3A_446 = arith.constant 0 : i32
        %dma_start3A_447 = tpu.memref_slice %arg4[%squeeze3A_440, %dma_start3A_446] : memref<1000001x64xf32, #tpu.memory_space<hbm>> -> memref<1x64xf32, #tpu.memory_space<hbm>>
        tpu.enqueue_dma source(%dma_start3A_447 : memref<1x64xf32, #tpu.memory_space<hbm>>) target(%dma_start3A_445 : memref<1x64xf32, #tpu.memory_space<hbm>>) target_semaphore(%arg9 : memref<!tpu.dma_semaphore, #tpu.memory_space<semaphore_mem>>)
        %slice3A_448 = vector.extract_strided_slice %get3A_348 {offsets = [11], sizes = [1], strides = [1]} : vector<16xi32> to vector<1xi32>
        %squeeze3A_449 = vector.extract %slice3A_448[0] : i32 from vector<1xi32>
        %add3A_450 = arith.addi %mul3A_0, %mul3A_345 : i32
        %add3A_451 = arith.constant 11 : i32
        %add3A_452 = arith.addi %add3A_450, %add3A_451 : i32
        %dma_start3A_453 = arith.constant 0 : i32
        %dma_start3A_454 = tpu.memref_slice %arg6[%add3A_452, %dma_start3A_453] : memref<16384x64xf32, #tpu.memory_space<hbm>> -> memref<1x64xf32, #tpu.memory_space<hbm>>
        %dma_start3A_455 = arith.constant 0 : i32
        %dma_start3A_456 = tpu.memref_slice %arg4[%squeeze3A_449, %dma_start3A_455] : memref<1000001x64xf32, #tpu.memory_space<hbm>> -> memref<1x64xf32, #tpu.memory_space<hbm>>
        tpu.enqueue_dma source(%dma_start3A_456 : memref<1x64xf32, #tpu.memory_space<hbm>>) target(%dma_start3A_454 : memref<1x64xf32, #tpu.memory_space<hbm>>) target_semaphore(%arg9 : memref<!tpu.dma_semaphore, #tpu.memory_space<semaphore_mem>>)
        %slice3A_457 = vector.extract_strided_slice %get3A_348 {offsets = [12], sizes = [1], strides = [1]} : vector<16xi32> to vector<1xi32>
        %squeeze3A_458 = vector.extract %slice3A_457[0] : i32 from vector<1xi32>
        %add3A_459 = arith.addi %mul3A_0, %mul3A_345 : i32
        %add3A_460 = arith.constant 12 : i32
        %add3A_461 = arith.addi %add3A_459, %add3A_460 : i32
        %dma_start3A_462 = arith.constant 0 : i32
        %dma_start3A_463 = tpu.memref_slice %arg6[%add3A_461, %dma_start3A_462] : memref<16384x64xf32, #tpu.memory_space<hbm>> -> memref<1x64xf32, #tpu.memory_space<hbm>>
        %dma_start3A_464 = arith.constant 0 : i32
        %dma_start3A_465 = tpu.memref_slice %arg4[%squeeze3A_458, %dma_start3A_464] : memref<1000001x64xf32, #tpu.memory_space<hbm>> -> memref<1x64xf32, #tpu.memory_space<hbm>>
        tpu.enqueue_dma source(%dma_start3A_465 : memref<1x64xf32, #tpu.memory_space<hbm>>) target(%dma_start3A_463 : memref<1x64xf32, #tpu.memory_space<hbm>>) target_semaphore(%arg9 : memref<!tpu.dma_semaphore, #tpu.memory_space<semaphore_mem>>)
        %slice3A_466 = vector.extract_strided_slice %get3A_348 {offsets = [13], sizes = [1], strides = [1]} : vector<16xi32> to vector<1xi32>
        %squeeze3A_467 = vector.extract %slice3A_466[0] : i32 from vector<1xi32>
        %add3A_468 = arith.addi %mul3A_0, %mul3A_345 : i32
        %add3A_469 = arith.constant 13 : i32
        %add3A_470 = arith.addi %add3A_468, %add3A_469 : i32
        %dma_start3A_471 = arith.constant 0 : i32
        %dma_start3A_472 = tpu.memref_slice %arg6[%add3A_470, %dma_start3A_471] : memref<16384x64xf32, #tpu.memory_space<hbm>> -> memref<1x64xf32, #tpu.memory_space<hbm>>
        %dma_start3A_473 = arith.constant 0 : i32
        %dma_start3A_474 = tpu.memref_slice %arg4[%squeeze3A_467, %dma_start3A_473] : memref<1000001x64xf32, #tpu.memory_space<hbm>> -> memref<1x64xf32, #tpu.memory_space<hbm>>
        tpu.enqueue_dma source(%dma_start3A_474 : memref<1x64xf32, #tpu.memory_space<hbm>>) target(%dma_start3A_472 : memref<1x64xf32, #tpu.memory_space<hbm>>) target_semaphore(%arg9 : memref<!tpu.dma_semaphore, #tpu.memory_space<semaphore_mem>>)
        %slice3A_475 = vector.extract_strided_slice %get3A_348 {offsets = [14], sizes = [1], strides = [1]} : vector<16xi32> to vector<1xi32>
        %squeeze3A_476 = vector.extract %slice3A_475[0] : i32 from vector<1xi32>
        %add3A_477 = arith.addi %mul3A_0, %mul3A_345 : i32
        %add3A_478 = arith.constant 14 : i32
        %add3A_479 = arith.addi %add3A_477, %add3A_478 : i32
        %dma_start3A_480 = arith.constant 0 : i32
        %dma_start3A_481 = tpu.memref_slice %arg6[%add3A_479, %dma_start3A_480] : memref<16384x64xf32, #tpu.memory_space<hbm>> -> memref<1x64xf32, #tpu.memory_space<hbm>>
        %dma_start3A_482 = arith.constant 0 : i32
        %dma_start3A_483 = tpu.memref_slice %arg4[%squeeze3A_476, %dma_start3A_482] : memref<1000001x64xf32, #tpu.memory_space<hbm>> -> memref<1x64xf32, #tpu.memory_space<hbm>>
        tpu.enqueue_dma source(%dma_start3A_483 : memref<1x64xf32, #tpu.memory_space<hbm>>) target(%dma_start3A_481 : memref<1x64xf32, #tpu.memory_space<hbm>>) target_semaphore(%arg9 : memref<!tpu.dma_semaphore, #tpu.memory_space<semaphore_mem>>)
        %slice3A_484 = vector.extract_strided_slice %get3A_348 {offsets = [15], sizes = [1], strides = [1]} : vector<16xi32> to vector<1xi32>
        %squeeze3A_485 = vector.extract %slice3A_484[0] : i32 from vector<1xi32>
        %add3A_486 = arith.addi %mul3A_0, %mul3A_345 : i32
        %add3A_487 = arith.constant 15 : i32
        %add3A_488 = arith.addi %add3A_486, %add3A_487 : i32
        %dma_start3A_489 = arith.constant 0 : i32
        %dma_start3A_490 = tpu.memref_slice %arg6[%add3A_488, %dma_start3A_489] : memref<16384x64xf32, #tpu.memory_space<hbm>> -> memref<1x64xf32, #tpu.memory_space<hbm>>
        %dma_start3A_491 = arith.constant 0 : i32
        %dma_start3A_492 = tpu.memref_slice %arg4[%squeeze3A_485, %dma_start3A_491] : memref<1000001x64xf32, #tpu.memory_space<hbm>> -> memref<1x64xf32, #tpu.memory_space<hbm>>
        tpu.enqueue_dma source(%dma_start3A_492 : memref<1x64xf32, #tpu.memory_space<hbm>>) target(%dma_start3A_490 : memref<1x64xf32, #tpu.memory_space<hbm>>) target_semaphore(%arg9 : memref<!tpu.dma_semaphore, #tpu.memory_space<semaphore_mem>>)
        %dma_wait3A_493 = arith.constant 0 : i32
        %dma_wait3A_494 = tpu.memref_slice %arg6[%mul3A_0, %dma_wait3A_493] : memref<16384x64xf32, #tpu.memory_space<hbm>> -> memref<16x64xf32, #tpu.memory_space<hbm>>
        %dma_wait3A_495 = arith.constant 0 : i32
        %dma_wait3A_496 = arith.constant 0 : i32
        %dma_wait3A_497 = tpu.memref_slice %arg4[%dma_wait3A_495, %dma_wait3A_496] : memref<1000001x64xf32, #tpu.memory_space<hbm>> -> memref<16x64xf32, #tpu.memory_space<hbm>>
        tpu.wait_dma2 semaphore(%arg9 : memref<!tpu.dma_semaphore, #tpu.memory_space<semaphore_mem>>) src(%dma_wait3A_497 : memref<16x64xf32, #tpu.memory_space<hbm>>) dst(%dma_wait3A_494 : memref<16x64xf32, #tpu.memory_space<hbm>>)
      }
      %scan3A_333 = arith.constant 62 : i32
      %dma_wait3A = arith.constant 0 : i32
      %dma_wait3A_334 = tpu.memref_slice %arg6[%mul3A_0, %dma_wait3A] : memref<16384x64xf32, #tpu.memory_space<hbm>> -> memref<16x64xf32, #tpu.memory_space<hbm>>
      %dma_wait3A_335 = arith.constant 0 : i32
      %dma_wait3A_336 = arith.constant 0 : i32
      %dma_wait3A_337 = tpu.memref_slice %arg4[%dma_wait3A_335, %dma_wait3A_336] : memref<1000001x64xf32, #tpu.memory_space<hbm>> -> memref<16x64xf32, #tpu.memory_space<hbm>>
      tpu.wait_dma2 semaphore(%arg9 : memref<!tpu.dma_semaphore, #tpu.memory_space<semaphore_mem>>) src(%dma_wait3A_337 : memref<16x64xf32, #tpu.memory_space<hbm>>) dst(%dma_wait3A_334 : memref<16x64xf32, #tpu.memory_space<hbm>>)
      %dma_wait3A_338 = arith.constant 0 : i32
      %dma_wait3A_339 = tpu.memref_slice %arg6[%mul3A_0, %dma_wait3A_338] : memref<16384x64xf32, #tpu.memory_space<hbm>> -> memref<16x64xf32, #tpu.memory_space<hbm>>
      %dma_wait3A_340 = arith.constant 0 : i32
      %dma_wait3A_341 = arith.constant 0 : i32
      %dma_wait3A_342 = tpu.memref_slice %arg4[%dma_wait3A_340, %dma_wait3A_341] : memref<1000001x64xf32, #tpu.memory_space<hbm>> -> memref<16x64xf32, #tpu.memory_space<hbm>>
      tpu.wait_dma2 semaphore(%arg9 : memref<!tpu.dma_semaphore, #tpu.memory_space<semaphore_mem>>) src(%dma_wait3A_342 : memref<16x64xf32, #tpu.memory_space<hbm>>) dst(%dma_wait3A_339 : memref<16x64xf32, #tpu.memory_space<hbm>>)
    } else {
    }
    %eq3A_3 = arith.constant 1 : i32
    %eq3A_4 = arith.cmpi eq, %arg0, %eq3A_3 : i32
    %convert_element_type3A_5 = arith.extui %eq3A_4 : i1 to i32
    %cond3A_6 = arith.constant 0 : i32
    %cond3A_7 = arith.cmpi ne, %convert_element_type3A_5, %cond3A_6 : i32
    scf.if %cond3A_7 {
      "tpu.region"() ({
        %run_scoped3A = tpu.sem_alloc : memref<!tpu.dma_semaphore, #tpu.memory_space<semaphore_mem>>
        %dma_start3A_343 = arith.constant 0 : i32
        %dma_start3A_344 = tpu.memref_slice %arg8[%dma_start3A_343] : memref<1040xi32, #tpu.memory_space<vmem>> -> memref<1024xi32, #tpu.memory_space<vmem>>
        %dma_start3A_345 = tpu.memref_slice %arg3[%mul3A_0] : memref<16384xi32, #tpu.memory_space<hbm>> -> memref<1024xi32, #tpu.memory_space<hbm>>
        %dma_start3A_346 = arith.constant 0 : i32
        %dma_start3A_347 = tpu.memref_slice %arg8[%dma_start3A_346] : memref<1040xi32, #tpu.memory_space<vmem>> -> memref<1024xi32, #tpu.memory_space<vmem>>
        %dma_start3A_348 = tpu.memref_slice %arg3[%mul3A_0] : memref<16384xi32, #tpu.memory_space<hbm>> -> memref<1024xi32, #tpu.memory_space<hbm>>
        tpu.enqueue_dma source(%dma_start3A_348 : memref<1024xi32, #tpu.memory_space<hbm>>) target(%dma_start3A_347 : memref<1024xi32, #tpu.memory_space<vmem>>) target_semaphore(%run_scoped3A : memref<!tpu.dma_semaphore, #tpu.memory_space<semaphore_mem>>)
        %dma_wait3A_349 = arith.constant 0 : i32
        %dma_wait3A_350 = tpu.memref_slice %arg8[%dma_wait3A_349] : memref<1040xi32, #tpu.memory_space<vmem>> -> memref<1024xi32, #tpu.memory_space<vmem>>
        %dma_wait3A_351 = tpu.memref_slice %arg3[%mul3A_0] : memref<16384xi32, #tpu.memory_space<hbm>> -> memref<1024xi32, #tpu.memory_space<hbm>>
        %dma_wait3A_352 = arith.constant 0 : i32
        %dma_wait3A_353 = tpu.memref_slice %arg8[%dma_wait3A_352] : memref<1040xi32, #tpu.memory_space<vmem>> -> memref<1024xi32, #tpu.memory_space<vmem>>
        %dma_wait3A_354 = tpu.memref_slice %arg3[%mul3A_0] : memref<16384xi32, #tpu.memory_space<hbm>> -> memref<1024xi32, #tpu.memory_space<hbm>>
        tpu.wait_dma2 semaphore(%run_scoped3A : memref<!tpu.dma_semaphore, #tpu.memory_space<semaphore_mem>>) src(%dma_wait3A_354 : memref<1024xi32, #tpu.memory_space<hbm>>) dst(%dma_wait3A_353 : memref<1024xi32, #tpu.memory_space<vmem>>)
        tpu.yield
      }) : () -> ()
      %get3A = arith.constant 0 : index
      %get3A_8 = tpu.vector_load %arg8[%get3A] {strides = array<i32>} : memref<1040xi32, #tpu.memory_space<vmem>>, vector<16xi32>,
      %get3A_9 = vector.shape_cast %get3A_8 : vector<16xi32> to vector<16xi32>
      %slice3A = vector.extract_strided_slice %get3A_9 {offsets = [0], sizes = [1], strides = [1]} : vector<16xi32> to vector<1xi32>
      %squeeze3A = vector.extract %slice3A[0] : i32 from vector<1xi32>
      %add3A = arith.constant 0 : i32
      %add3A_10 = arith.addi %mul3A_0, %add3A : i32
      %add3A_11 = arith.constant 0 : i32
      %add3A_12 = arith.addi %add3A_10, %add3A_11 : i32
      %dma_start3A = arith.constant 0 : i32
      %dma_start3A_13 = tpu.memref_slice %arg7[%add3A_12, %dma_start3A] : memref<16384x64xf32, #tpu.memory_space<hbm>> -> memref<1x64xf32, #tpu.memory_space<hbm>>
      %dma_start3A_14 = arith.constant 0 : i32
      %dma_start3A_15 = tpu.memref_slice %arg5[%squeeze3A, %dma_start3A_14] : memref<1000001x64xf32, #tpu.memory_space<hbm>> -> memref<1x64xf32, #tpu.memory_space<hbm>>
      tpu.enqueue_dma source(%dma_start3A_15 : memref<1x64xf32, #tpu.memory_space<hbm>>) target(%dma_start3A_13 : memref<1x64xf32, #tpu.memory_space<hbm>>) target_semaphore(%arg9 : memref<!tpu.dma_semaphore, #tpu.memory_space<semaphore_mem>>)
      %slice3A_16 = vector.extract_strided_slice %get3A_9 {offsets = [1], sizes = [1], strides = [1]} : vector<16xi32> to vector<1xi32>
      %squeeze3A_17 = vector.extract %slice3A_16[0] : i32 from vector<1xi32>
      %add3A_18 = arith.constant 0 : i32
      %add3A_19 = arith.addi %mul3A_0, %add3A_18 : i32
      %add3A_20 = arith.constant 1 : i32
      %add3A_21 = arith.addi %add3A_19, %add3A_20 : i32
      %dma_start3A_22 = arith.constant 0 : i32
      %dma_start3A_23 = tpu.memref_slice %arg7[%add3A_21, %dma_start3A_22] : memref<16384x64xf32, #tpu.memory_space<hbm>> -> memref<1x64xf32, #tpu.memory_space<hbm>>
      %dma_start3A_24 = arith.constant 0 : i32
      %dma_start3A_25 = tpu.memref_slice %arg5[%squeeze3A_17, %dma_start3A_24] : memref<1000001x64xf32, #tpu.memory_space<hbm>> -> memref<1x64xf32, #tpu.memory_space<hbm>>
      tpu.enqueue_dma source(%dma_start3A_25 : memref<1x64xf32, #tpu.memory_space<hbm>>) target(%dma_start3A_23 : memref<1x64xf32, #tpu.memory_space<hbm>>) target_semaphore(%arg9 : memref<!tpu.dma_semaphore, #tpu.memory_space<semaphore_mem>>)
      %slice3A_26 = vector.extract_strided_slice %get3A_9 {offsets = [2], sizes = [1], strides = [1]} : vector<16xi32> to vector<1xi32>
      %squeeze3A_27 = vector.extract %slice3A_26[0] : i32 from vector<1xi32>
      %add3A_28 = arith.constant 0 : i32
      %add3A_29 = arith.addi %mul3A_0, %add3A_28 : i32
      %add3A_30 = arith.constant 2 : i32
      %add3A_31 = arith.addi %add3A_29, %add3A_30 : i32
      %dma_start3A_32 = arith.constant 0 : i32
      %dma_start3A_33 = tpu.memref_slice %arg7[%add3A_31, %dma_start3A_32] : memref<16384x64xf32, #tpu.memory_space<hbm>> -> memref<1x64xf32, #tpu.memory_space<hbm>>
      %dma_start3A_34 = arith.constant 0 : i32
      %dma_start3A_35 = tpu.memref_slice %arg5[%squeeze3A_27, %dma_start3A_34] : memref<1000001x64xf32, #tpu.memory_space<hbm>> -> memref<1x64xf32, #tpu.memory_space<hbm>>
      tpu.enqueue_dma source(%dma_start3A_35 : memref<1x64xf32, #tpu.memory_space<hbm>>) target(%dma_start3A_33 : memref<1x64xf32, #tpu.memory_space<hbm>>) target_semaphore(%arg9 : memref<!tpu.dma_semaphore, #tpu.memory_space<semaphore_mem>>)
      %slice3A_36 = vector.extract_strided_slice %get3A_9 {offsets = [3], sizes = [1], strides = [1]} : vector<16xi32> to vector<1xi32>
      %squeeze3A_37 = vector.extract %slice3A_36[0] : i32 from vector<1xi32>
      %add3A_38 = arith.constant 0 : i32
      %add3A_39 = arith.addi %mul3A_0, %add3A_38 : i32
      %add3A_40 = arith.constant 3 : i32
      %add3A_41 = arith.addi %add3A_39, %add3A_40 : i32
      %dma_start3A_42 = arith.constant 0 : i32
      %dma_start3A_43 = tpu.memref_slice %arg7[%add3A_41, %dma_start3A_42] : memref<16384x64xf32, #tpu.memory_space<hbm>> -> memref<1x64xf32, #tpu.memory_space<hbm>>
      %dma_start3A_44 = arith.constant 0 : i32
      %dma_start3A_45 = tpu.memref_slice %arg5[%squeeze3A_37, %dma_start3A_44] : memref<1000001x64xf32, #tpu.memory_space<hbm>> -> memref<1x64xf32, #tpu.memory_space<hbm>>
      tpu.enqueue_dma source(%dma_start3A_45 : memref<1x64xf32, #tpu.memory_space<hbm>>) target(%dma_start3A_43 : memref<1x64xf32, #tpu.memory_space<hbm>>) target_semaphore(%arg9 : memref<!tpu.dma_semaphore, #tpu.memory_space<semaphore_mem>>)
      %slice3A_46 = vector.extract_strided_slice %get3A_9 {offsets = [4], sizes = [1], strides = [1]} : vector<16xi32> to vector<1xi32>
      %squeeze3A_47 = vector.extract %slice3A_46[0] : i32 from vector<1xi32>
      %add3A_48 = arith.constant 0 : i32
      %add3A_49 = arith.addi %mul3A_0, %add3A_48 : i32
      %add3A_50 = arith.constant 4 : i32
      %add3A_51 = arith.addi %add3A_49, %add3A_50 : i32
      %dma_start3A_52 = arith.constant 0 : i32
      %dma_start3A_53 = tpu.memref_slice %arg7[%add3A_51, %dma_start3A_52] : memref<16384x64xf32, #tpu.memory_space<hbm>> -> memref<1x64xf32, #tpu.memory_space<hbm>>
      %dma_start3A_54 = arith.constant 0 : i32
      %dma_start3A_55 = tpu.memref_slice %arg5[%squeeze3A_47, %dma_start3A_54] : memref<1000001x64xf32, #tpu.memory_space<hbm>> -> memref<1x64xf32, #tpu.memory_space<hbm>>
      tpu.enqueue_dma source(%dma_start3A_55 : memref<1x64xf32, #tpu.memory_space<hbm>>) target(%dma_start3A_53 : memref<1x64xf32, #tpu.memory_space<hbm>>) target_semaphore(%arg9 : memref<!tpu.dma_semaphore, #tpu.memory_space<semaphore_mem>>)
      %slice3A_56 = vector.extract_strided_slice %get3A_9 {offsets = [5], sizes = [1], strides = [1]} : vector<16xi32> to vector<1xi32>
      %squeeze3A_57 = vector.extract %slice3A_56[0] : i32 from vector<1xi32>
      %add3A_58 = arith.constant 0 : i32
      %add3A_59 = arith.addi %mul3A_0, %add3A_58 : i32
      %add3A_60 = arith.constant 5 : i32
      %add3A_61 = arith.addi %add3A_59, %add3A_60 : i32
      %dma_start3A_62 = arith.constant 0 : i32
      %dma_start3A_63 = tpu.memref_slice %arg7[%add3A_61, %dma_start3A_62] : memref<16384x64xf32, #tpu.memory_space<hbm>> -> memref<1x64xf32, #tpu.memory_space<hbm>>
      %dma_start3A_64 = arith.constant 0 : i32
      %dma_start3A_65 = tpu.memref_slice %arg5[%squeeze3A_57, %dma_start3A_64] : memref<1000001x64xf32, #tpu.memory_space<hbm>> -> memref<1x64xf32, #tpu.memory_space<hbm>>
      tpu.enqueue_dma source(%dma_start3A_65 : memref<1x64xf32, #tpu.memory_space<hbm>>) target(%dma_start3A_63 : memref<1x64xf32, #tpu.memory_space<hbm>>) target_semaphore(%arg9 : memref<!tpu.dma_semaphore, #tpu.memory_space<semaphore_mem>>)
      %slice3A_66 = vector.extract_strided_slice %get3A_9 {offsets = [6], sizes = [1], strides = [1]} : vector<16xi32> to vector<1xi32>
      %squeeze3A_67 = vector.extract %slice3A_66[0] : i32 from vector<1xi32>
      %add3A_68 = arith.constant 0 : i32
      %add3A_69 = arith.addi %mul3A_0, %add3A_68 : i32
      %add3A_70 = arith.constant 6 : i32
      %add3A_71 = arith.addi %add3A_69, %add3A_70 : i32
      %dma_start3A_72 = arith.constant 0 : i32
      %dma_start3A_73 = tpu.memref_slice %arg7[%add3A_71, %dma_start3A_72] : memref<16384x64xf32, #tpu.memory_space<hbm>> -> memref<1x64xf32, #tpu.memory_space<hbm>>
      %dma_start3A_74 = arith.constant 0 : i32
      %dma_start3A_75 = tpu.memref_slice %arg5[%squeeze3A_67, %dma_start3A_74] : memref<1000001x64xf32, #tpu.memory_space<hbm>> -> memref<1x64xf32, #tpu.memory_space<hbm>>
      tpu.enqueue_dma source(%dma_start3A_75 : memref<1x64xf32, #tpu.memory_space<hbm>>) target(%dma_start3A_73 : memref<1x64xf32, #tpu.memory_space<hbm>>) target_semaphore(%arg9 : memref<!tpu.dma_semaphore, #tpu.memory_space<semaphore_mem>>)
      %slice3A_76 = vector.extract_strided_slice %get3A_9 {offsets = [7], sizes = [1], strides = [1]} : vector<16xi32> to vector<1xi32>
      %squeeze3A_77 = vector.extract %slice3A_76[0] : i32 from vector<1xi32>
      %add3A_78 = arith.constant 0 : i32
      %add3A_79 = arith.addi %mul3A_0, %add3A_78 : i32
      %add3A_80 = arith.constant 7 : i32
      %add3A_81 = arith.addi %add3A_79, %add3A_80 : i32
      %dma_start3A_82 = arith.constant 0 : i32
      %dma_start3A_83 = tpu.memref_slice %arg7[%add3A_81, %dma_start3A_82] : memref<16384x64xf32, #tpu.memory_space<hbm>> -> memref<1x64xf32, #tpu.memory_space<hbm>>
      %dma_start3A_84 = arith.constant 0 : i32
      %dma_start3A_85 = tpu.memref_slice %arg5[%squeeze3A_77, %dma_start3A_84] : memref<1000001x64xf32, #tpu.memory_space<hbm>> -> memref<1x64xf32, #tpu.memory_space<hbm>>
      tpu.enqueue_dma source(%dma_start3A_85 : memref<1x64xf32, #tpu.memory_space<hbm>>) target(%dma_start3A_83 : memref<1x64xf32, #tpu.memory_space<hbm>>) target_semaphore(%arg9 : memref<!tpu.dma_semaphore, #tpu.memory_space<semaphore_mem>>)
      %slice3A_86 = vector.extract_strided_slice %get3A_9 {offsets = [8], sizes = [1], strides = [1]} : vector<16xi32> to vector<1xi32>
      %squeeze3A_87 = vector.extract %slice3A_86[0] : i32 from vector<1xi32>
      %add3A_88 = arith.constant 0 : i32
      %add3A_89 = arith.addi %mul3A_0, %add3A_88 : i32
      %add3A_90 = arith.constant 8 : i32
      %add3A_91 = arith.addi %add3A_89, %add3A_90 : i32
      %dma_start3A_92 = arith.constant 0 : i32
      %dma_start3A_93 = tpu.memref_slice %arg7[%add3A_91, %dma_start3A_92] : memref<16384x64xf32, #tpu.memory_space<hbm>> -> memref<1x64xf32, #tpu.memory_space<hbm>>
      %dma_start3A_94 = arith.constant 0 : i32
      %dma_start3A_95 = tpu.memref_slice %arg5[%squeeze3A_87, %dma_start3A_94] : memref<1000001x64xf32, #tpu.memory_space<hbm>> -> memref<1x64xf32, #tpu.memory_space<hbm>>
      tpu.enqueue_dma source(%dma_start3A_95 : memref<1x64xf32, #tpu.memory_space<hbm>>) target(%dma_start3A_93 : memref<1x64xf32, #tpu.memory_space<hbm>>) target_semaphore(%arg9 : memref<!tpu.dma_semaphore, #tpu.memory_space<semaphore_mem>>)
      %slice3A_96 = vector.extract_strided_slice %get3A_9 {offsets = [9], sizes = [1], strides = [1]} : vector<16xi32> to vector<1xi32>
      %squeeze3A_97 = vector.extract %slice3A_96[0] : i32 from vector<1xi32>
      %add3A_98 = arith.constant 0 : i32
      %add3A_99 = arith.addi %mul3A_0, %add3A_98 : i32
      %add3A_100 = arith.constant 9 : i32
      %add3A_101 = arith.addi %add3A_99, %add3A_100 : i32
      %dma_start3A_102 = arith.constant 0 : i32
      %dma_start3A_103 = tpu.memref_slice %arg7[%add3A_101, %dma_start3A_102] : memref<16384x64xf32, #tpu.memory_space<hbm>> -> memref<1x64xf32, #tpu.memory_space<hbm>>
      %dma_start3A_104 = arith.constant 0 : i32
      %dma_start3A_105 = tpu.memref_slice %arg5[%squeeze3A_97, %dma_start3A_104] : memref<1000001x64xf32, #tpu.memory_space<hbm>> -> memref<1x64xf32, #tpu.memory_space<hbm>>
      tpu.enqueue_dma source(%dma_start3A_105 : memref<1x64xf32, #tpu.memory_space<hbm>>) target(%dma_start3A_103 : memref<1x64xf32, #tpu.memory_space<hbm>>) target_semaphore(%arg9 : memref<!tpu.dma_semaphore, #tpu.memory_space<semaphore_mem>>)
      %slice3A_106 = vector.extract_strided_slice %get3A_9 {offsets = [10], sizes = [1], strides = [1]} : vector<16xi32> to vector<1xi32>
      %squeeze3A_107 = vector.extract %slice3A_106[0] : i32 from vector<1xi32>
      %add3A_108 = arith.constant 0 : i32
      %add3A_109 = arith.addi %mul3A_0, %add3A_108 : i32
      %add3A_110 = arith.constant 10 : i32
      %add3A_111 = arith.addi %add3A_109, %add3A_110 : i32
      %dma_start3A_112 = arith.constant 0 : i32
      %dma_start3A_113 = tpu.memref_slice %arg7[%add3A_111, %dma_start3A_112] : memref<16384x64xf32, #tpu.memory_space<hbm>> -> memref<1x64xf32, #tpu.memory_space<hbm>>
      %dma_start3A_114 = arith.constant 0 : i32
      %dma_start3A_115 = tpu.memref_slice %arg5[%squeeze3A_107, %dma_start3A_114] : memref<1000001x64xf32, #tpu.memory_space<hbm>> -> memref<1x64xf32, #tpu.memory_space<hbm>>
      tpu.enqueue_dma source(%dma_start3A_115 : memref<1x64xf32, #tpu.memory_space<hbm>>) target(%dma_start3A_113 : memref<1x64xf32, #tpu.memory_space<hbm>>) target_semaphore(%arg9 : memref<!tpu.dma_semaphore, #tpu.memory_space<semaphore_mem>>)
      %slice3A_116 = vector.extract_strided_slice %get3A_9 {offsets = [11], sizes = [1], strides = [1]} : vector<16xi32> to vector<1xi32>
      %squeeze3A_117 = vector.extract %slice3A_116[0] : i32 from vector<1xi32>
      %add3A_118 = arith.constant 0 : i32
      %add3A_119 = arith.addi %mul3A_0, %add3A_118 : i32
      %add3A_120 = arith.constant 11 : i32
      %add3A_121 = arith.addi %add3A_119, %add3A_120 : i32
      %dma_start3A_122 = arith.constant 0 : i32
      %dma_start3A_123 = tpu.memref_slice %arg7[%add3A_121, %dma_start3A_122] : memref<16384x64xf32, #tpu.memory_space<hbm>> -> memref<1x64xf32, #tpu.memory_space<hbm>>
      %dma_start3A_124 = arith.constant 0 : i32
      %dma_start3A_125 = tpu.memref_slice %arg5[%squeeze3A_117, %dma_start3A_124] : memref<1000001x64xf32, #tpu.memory_space<hbm>> -> memref<1x64xf32, #tpu.memory_space<hbm>>
      tpu.enqueue_dma source(%dma_start3A_125 : memref<1x64xf32, #tpu.memory_space<hbm>>) target(%dma_start3A_123 : memref<1x64xf32, #tpu.memory_space<hbm>>) target_semaphore(%arg9 : memref<!tpu.dma_semaphore, #tpu.memory_space<semaphore_mem>>)
      %slice3A_126 = vector.extract_strided_slice %get3A_9 {offsets = [12], sizes = [1], strides = [1]} : vector<16xi32> to vector<1xi32>
      %squeeze3A_127 = vector.extract %slice3A_126[0] : i32 from vector<1xi32>
      %add3A_128 = arith.constant 0 : i32
      %add3A_129 = arith.addi %mul3A_0, %add3A_128 : i32
      %add3A_130 = arith.constant 12 : i32
      %add3A_131 = arith.addi %add3A_129, %add3A_130 : i32
      %dma_start3A_132 = arith.constant 0 : i32
      %dma_start3A_133 = tpu.memref_slice %arg7[%add3A_131, %dma_start3A_132] : memref<16384x64xf32, #tpu.memory_space<hbm>> -> memref<1x64xf32, #tpu.memory_space<hbm>>
      %dma_start3A_134 = arith.constant 0 : i32
      %dma_start3A_135 = tpu.memref_slice %arg5[%squeeze3A_127, %dma_start3A_134] : memref<1000001x64xf32, #tpu.memory_space<hbm>> -> memref<1x64xf32, #tpu.memory_space<hbm>>
      tpu.enqueue_dma source(%dma_start3A_135 : memref<1x64xf32, #tpu.memory_space<hbm>>) target(%dma_start3A_133 : memref<1x64xf32, #tpu.memory_space<hbm>>) target_semaphore(%arg9 : memref<!tpu.dma_semaphore, #tpu.memory_space<semaphore_mem>>)
      %slice3A_136 = vector.extract_strided_slice %get3A_9 {offsets = [13], sizes = [1], strides = [1]} : vector<16xi32> to vector<1xi32>
      %squeeze3A_137 = vector.extract %slice3A_136[0] : i32 from vector<1xi32>
      %add3A_138 = arith.constant 0 : i32
      %add3A_139 = arith.addi %mul3A_0, %add3A_138 : i32
      %add3A_140 = arith.constant 13 : i32
      %add3A_141 = arith.addi %add3A_139, %add3A_140 : i32
      %dma_start3A_142 = arith.constant 0 : i32
      %dma_start3A_143 = tpu.memref_slice %arg7[%add3A_141, %dma_start3A_142] : memref<16384x64xf32, #tpu.memory_space<hbm>> -> memref<1x64xf32, #tpu.memory_space<hbm>>
      %dma_start3A_144 = arith.constant 0 : i32
      %dma_start3A_145 = tpu.memref_slice %arg5[%squeeze3A_137, %dma_start3A_144] : memref<1000001x64xf32, #tpu.memory_space<hbm>> -> memref<1x64xf32, #tpu.memory_space<hbm>>
      tpu.enqueue_dma source(%dma_start3A_145 : memref<1x64xf32, #tpu.memory_space<hbm>>) target(%dma_start3A_143 : memref<1x64xf32, #tpu.memory_space<hbm>>) target_semaphore(%arg9 : memref<!tpu.dma_semaphore, #tpu.memory_space<semaphore_mem>>)
      %slice3A_146 = vector.extract_strided_slice %get3A_9 {offsets = [14], sizes = [1], strides = [1]} : vector<16xi32> to vector<1xi32>
      %squeeze3A_147 = vector.extract %slice3A_146[0] : i32 from vector<1xi32>
      %add3A_148 = arith.constant 0 : i32
      %add3A_149 = arith.addi %mul3A_0, %add3A_148 : i32
      %add3A_150 = arith.constant 14 : i32
      %add3A_151 = arith.addi %add3A_149, %add3A_150 : i32
      %dma_start3A_152 = arith.constant 0 : i32
      %dma_start3A_153 = tpu.memref_slice %arg7[%add3A_151, %dma_start3A_152] : memref<16384x64xf32, #tpu.memory_space<hbm>> -> memref<1x64xf32, #tpu.memory_space<hbm>>
      %dma_start3A_154 = arith.constant 0 : i32
      %dma_start3A_155 = tpu.memref_slice %arg5[%squeeze3A_147, %dma_start3A_154] : memref<1000001x64xf32, #tpu.memory_space<hbm>> -> memref<1x64xf32, #tpu.memory_space<hbm>>
      tpu.enqueue_dma source(%dma_start3A_155 : memref<1x64xf32, #tpu.memory_space<hbm>>) target(%dma_start3A_153 : memref<1x64xf32, #tpu.memory_space<hbm>>) target_semaphore(%arg9 : memref<!tpu.dma_semaphore, #tpu.memory_space<semaphore_mem>>)
      %slice3A_156 = vector.extract_strided_slice %get3A_9 {offsets = [15], sizes = [1], strides = [1]} : vector<16xi32> to vector<1xi32>
      %squeeze3A_157 = vector.extract %slice3A_156[0] : i32 from vector<1xi32>
      %add3A_158 = arith.constant 0 : i32
      %add3A_159 = arith.addi %mul3A_0, %add3A_158 : i32
      %add3A_160 = arith.constant 15 : i32
      %add3A_161 = arith.addi %add3A_159, %add3A_160 : i32
      %dma_start3A_162 = arith.constant 0 : i32
      %dma_start3A_163 = tpu.memref_slice %arg7[%add3A_161, %dma_start3A_162] : memref<16384x64xf32, #tpu.memory_space<hbm>> -> memref<1x64xf32, #tpu.memory_space<hbm>>
      %dma_start3A_164 = arith.constant 0 : i32
      %dma_start3A_165 = tpu.memref_slice %arg5[%squeeze3A_157, %dma_start3A_164] : memref<1000001x64xf32, #tpu.memory_space<hbm>> -> memref<1x64xf32, #tpu.memory_space<hbm>>
      tpu.enqueue_dma source(%dma_start3A_165 : memref<1x64xf32, #tpu.memory_space<hbm>>) target(%dma_start3A_163 : memref<1x64xf32, #tpu.memory_space<hbm>>) target_semaphore(%arg9 : memref<!tpu.dma_semaphore, #tpu.memory_space<semaphore_mem>>)
      %get3A_166 = arith.constant 16 : index
      %get3A_167 = tpu.vector_load %arg8[%get3A_166] {strides = array<i32>} : memref<1040xi32, #tpu.memory_space<vmem>>, vector<16xi32>,
      %get3A_168 = vector.shape_cast %get3A_167 : vector<16xi32> to vector<16xi32>
      %slice3A_169 = vector.extract_strided_slice %get3A_168 {offsets = [0], sizes = [1], strides = [1]} : vector<16xi32> to vector<1xi32>
      %squeeze3A_170 = vector.extract %slice3A_169[0] : i32 from vector<1xi32>
      %add3A_171 = arith.constant 16 : i32
      %add3A_172 = arith.addi %mul3A_0, %add3A_171 : i32
      %add3A_173 = arith.constant 0 : i32
      %add3A_174 = arith.addi %add3A_172, %add3A_173 : i32
      %dma_start3A_175 = arith.constant 0 : i32
      %dma_start3A_176 = tpu.memref_slice %arg7[%add3A_174, %dma_start3A_175] : memref<16384x64xf32, #tpu.memory_space<hbm>> -> memref<1x64xf32, #tpu.memory_space<hbm>>
      %dma_start3A_177 = arith.constant 0 : i32
      %dma_start3A_178 = tpu.memref_slice %arg5[%squeeze3A_170, %dma_start3A_177] : memref<1000001x64xf32, #tpu.memory_space<hbm>> -> memref<1x64xf32, #tpu.memory_space<hbm>>
      tpu.enqueue_dma source(%dma_start3A_178 : memref<1x64xf32, #tpu.memory_space<hbm>>) target(%dma_start3A_176 : memref<1x64xf32, #tpu.memory_space<hbm>>) target_semaphore(%arg9 : memref<!tpu.dma_semaphore, #tpu.memory_space<semaphore_mem>>)
      %slice3A_179 = vector.extract_strided_slice %get3A_168 {offsets = [1], sizes = [1], strides = [1]} : vector<16xi32> to vector<1xi32>
      %squeeze3A_180 = vector.extract %slice3A_179[0] : i32 from vector<1xi32>
      %add3A_181 = arith.constant 16 : i32
      %add3A_182 = arith.addi %mul3A_0, %add3A_181 : i32
      %add3A_183 = arith.constant 1 : i32
      %add3A_184 = arith.addi %add3A_182, %add3A_183 : i32
      %dma_start3A_185 = arith.constant 0 : i32
      %dma_start3A_186 = tpu.memref_slice %arg7[%add3A_184, %dma_start3A_185] : memref<16384x64xf32, #tpu.memory_space<hbm>> -> memref<1x64xf32, #tpu.memory_space<hbm>>
      %dma_start3A_187 = arith.constant 0 : i32
      %dma_start3A_188 = tpu.memref_slice %arg5[%squeeze3A_180, %dma_start3A_187] : memref<1000001x64xf32, #tpu.memory_space<hbm>> -> memref<1x64xf32, #tpu.memory_space<hbm>>
      tpu.enqueue_dma source(%dma_start3A_188 : memref<1x64xf32, #tpu.memory_space<hbm>>) target(%dma_start3A_186 : memref<1x64xf32, #tpu.memory_space<hbm>>) target_semaphore(%arg9 : memref<!tpu.dma_semaphore, #tpu.memory_space<semaphore_mem>>)
      %slice3A_189 = vector.extract_strided_slice %get3A_168 {offsets = [2], sizes = [1], strides = [1]} : vector<16xi32> to vector<1xi32>
      %squeeze3A_190 = vector.extract %slice3A_189[0] : i32 from vector<1xi32>
      %add3A_191 = arith.constant 16 : i32
      %add3A_192 = arith.addi %mul3A_0, %add3A_191 : i32
      %add3A_193 = arith.constant 2 : i32
      %add3A_194 = arith.addi %add3A_192, %add3A_193 : i32
      %dma_start3A_195 = arith.constant 0 : i32
      %dma_start3A_196 = tpu.memref_slice %arg7[%add3A_194, %dma_start3A_195] : memref<16384x64xf32, #tpu.memory_space<hbm>> -> memref<1x64xf32, #tpu.memory_space<hbm>>
      %dma_start3A_197 = arith.constant 0 : i32
      %dma_start3A_198 = tpu.memref_slice %arg5[%squeeze3A_190, %dma_start3A_197] : memref<1000001x64xf32, #tpu.memory_space<hbm>> -> memref<1x64xf32, #tpu.memory_space<hbm>>
      tpu.enqueue_dma source(%dma_start3A_198 : memref<1x64xf32, #tpu.memory_space<hbm>>) target(%dma_start3A_196 : memref<1x64xf32, #tpu.memory_space<hbm>>) target_semaphore(%arg9 : memref<!tpu.dma_semaphore, #tpu.memory_space<semaphore_mem>>)
      %slice3A_199 = vector.extract_strided_slice %get3A_168 {offsets = [3], sizes = [1], strides = [1]} : vector<16xi32> to vector<1xi32>
      %squeeze3A_200 = vector.extract %slice3A_199[0] : i32 from vector<1xi32>
      %add3A_201 = arith.constant 16 : i32
      %add3A_202 = arith.addi %mul3A_0, %add3A_201 : i32
      %add3A_203 = arith.constant 3 : i32
      %add3A_204 = arith.addi %add3A_202, %add3A_203 : i32
      %dma_start3A_205 = arith.constant 0 : i32
      %dma_start3A_206 = tpu.memref_slice %arg7[%add3A_204, %dma_start3A_205] : memref<16384x64xf32, #tpu.memory_space<hbm>> -> memref<1x64xf32, #tpu.memory_space<hbm>>
      %dma_start3A_207 = arith.constant 0 : i32
      %dma_start3A_208 = tpu.memref_slice %arg5[%squeeze3A_200, %dma_start3A_207] : memref<1000001x64xf32, #tpu.memory_space<hbm>> -> memref<1x64xf32, #tpu.memory_space<hbm>>
      tpu.enqueue_dma source(%dma_start3A_208 : memref<1x64xf32, #tpu.memory_space<hbm>>) target(%dma_start3A_206 : memref<1x64xf32, #tpu.memory_space<hbm>>) target_semaphore(%arg9 : memref<!tpu.dma_semaphore, #tpu.memory_space<semaphore_mem>>)
      %slice3A_209 = vector.extract_strided_slice %get3A_168 {offsets = [4], sizes = [1], strides = [1]} : vector<16xi32> to vector<1xi32>
      %squeeze3A_210 = vector.extract %slice3A_209[0] : i32 from vector<1xi32>
      %add3A_211 = arith.constant 16 : i32
      %add3A_212 = arith.addi %mul3A_0, %add3A_211 : i32
      %add3A_213 = arith.constant 4 : i32
      %add3A_214 = arith.addi %add3A_212, %add3A_213 : i32
      %dma_start3A_215 = arith.constant 0 : i32
      %dma_start3A_216 = tpu.memref_slice %arg7[%add3A_214, %dma_start3A_215] : memref<16384x64xf32, #tpu.memory_space<hbm>> -> memref<1x64xf32, #tpu.memory_space<hbm>>
      %dma_start3A_217 = arith.constant 0 : i32
      %dma_start3A_218 = tpu.memref_slice %arg5[%squeeze3A_210, %dma_start3A_217] : memref<1000001x64xf32, #tpu.memory_space<hbm>> -> memref<1x64xf32, #tpu.memory_space<hbm>>
      tpu.enqueue_dma source(%dma_start3A_218 : memref<1x64xf32, #tpu.memory_space<hbm>>) target(%dma_start3A_216 : memref<1x64xf32, #tpu.memory_space<hbm>>) target_semaphore(%arg9 : memref<!tpu.dma_semaphore, #tpu.memory_space<semaphore_mem>>)
      %slice3A_219 = vector.extract_strided_slice %get3A_168 {offsets = [5], sizes = [1], strides = [1]} : vector<16xi32> to vector<1xi32>
      %squeeze3A_220 = vector.extract %slice3A_219[0] : i32 from vector<1xi32>
      %add3A_221 = arith.constant 16 : i32
      %add3A_222 = arith.addi %mul3A_0, %add3A_221 : i32
      %add3A_223 = arith.constant 5 : i32
      %add3A_224 = arith.addi %add3A_222, %add3A_223 : i32
      %dma_start3A_225 = arith.constant 0 : i32
      %dma_start3A_226 = tpu.memref_slice %arg7[%add3A_224, %dma_start3A_225] : memref<16384x64xf32, #tpu.memory_space<hbm>> -> memref<1x64xf32, #tpu.memory_space<hbm>>
      %dma_start3A_227 = arith.constant 0 : i32
      %dma_start3A_228 = tpu.memref_slice %arg5[%squeeze3A_220, %dma_start3A_227] : memref<1000001x64xf32, #tpu.memory_space<hbm>> -> memref<1x64xf32, #tpu.memory_space<hbm>>
      tpu.enqueue_dma source(%dma_start3A_228 : memref<1x64xf32, #tpu.memory_space<hbm>>) target(%dma_start3A_226 : memref<1x64xf32, #tpu.memory_space<hbm>>) target_semaphore(%arg9 : memref<!tpu.dma_semaphore, #tpu.memory_space<semaphore_mem>>)
      %slice3A_229 = vector.extract_strided_slice %get3A_168 {offsets = [6], sizes = [1], strides = [1]} : vector<16xi32> to vector<1xi32>
      %squeeze3A_230 = vector.extract %slice3A_229[0] : i32 from vector<1xi32>
      %add3A_231 = arith.constant 16 : i32
      %add3A_232 = arith.addi %mul3A_0, %add3A_231 : i32
      %add3A_233 = arith.constant 6 : i32
      %add3A_234 = arith.addi %add3A_232, %add3A_233 : i32
      %dma_start3A_235 = arith.constant 0 : i32
      %dma_start3A_236 = tpu.memref_slice %arg7[%add3A_234, %dma_start3A_235] : memref<16384x64xf32, #tpu.memory_space<hbm>> -> memref<1x64xf32, #tpu.memory_space<hbm>>
      %dma_start3A_237 = arith.constant 0 : i32
      %dma_start3A_238 = tpu.memref_slice %arg5[%squeeze3A_230, %dma_start3A_237] : memref<1000001x64xf32, #tpu.memory_space<hbm>> -> memref<1x64xf32, #tpu.memory_space<hbm>>
      tpu.enqueue_dma source(%dma_start3A_238 : memref<1x64xf32, #tpu.memory_space<hbm>>) target(%dma_start3A_236 : memref<1x64xf32, #tpu.memory_space<hbm>>) target_semaphore(%arg9 : memref<!tpu.dma_semaphore, #tpu.memory_space<semaphore_mem>>)
      %slice3A_239 = vector.extract_strided_slice %get3A_168 {offsets = [7], sizes = [1], strides = [1]} : vector<16xi32> to vector<1xi32>
      %squeeze3A_240 = vector.extract %slice3A_239[0] : i32 from vector<1xi32>
      %add3A_241 = arith.constant 16 : i32
      %add3A_242 = arith.addi %mul3A_0, %add3A_241 : i32
      %add3A_243 = arith.constant 7 : i32
      %add3A_244 = arith.addi %add3A_242, %add3A_243 : i32
      %dma_start3A_245 = arith.constant 0 : i32
      %dma_start3A_246 = tpu.memref_slice %arg7[%add3A_244, %dma_start3A_245] : memref<16384x64xf32, #tpu.memory_space<hbm>> -> memref<1x64xf32, #tpu.memory_space<hbm>>
      %dma_start3A_247 = arith.constant 0 : i32
      %dma_start3A_248 = tpu.memref_slice %arg5[%squeeze3A_240, %dma_start3A_247] : memref<1000001x64xf32, #tpu.memory_space<hbm>> -> memref<1x64xf32, #tpu.memory_space<hbm>>
      tpu.enqueue_dma source(%dma_start3A_248 : memref<1x64xf32, #tpu.memory_space<hbm>>) target(%dma_start3A_246 : memref<1x64xf32, #tpu.memory_space<hbm>>) target_semaphore(%arg9 : memref<!tpu.dma_semaphore, #tpu.memory_space<semaphore_mem>>)
      %slice3A_249 = vector.extract_strided_slice %get3A_168 {offsets = [8], sizes = [1], strides = [1]} : vector<16xi32> to vector<1xi32>
      %squeeze3A_250 = vector.extract %slice3A_249[0] : i32 from vector<1xi32>
      %add3A_251 = arith.constant 16 : i32
      %add3A_252 = arith.addi %mul3A_0, %add3A_251 : i32
      %add3A_253 = arith.constant 8 : i32
      %add3A_254 = arith.addi %add3A_252, %add3A_253 : i32
      %dma_start3A_255 = arith.constant 0 : i32
      %dma_start3A_256 = tpu.memref_slice %arg7[%add3A_254, %dma_start3A_255] : memref<16384x64xf32, #tpu.memory_space<hbm>> -> memref<1x64xf32, #tpu.memory_space<hbm>>
      %dma_start3A_257 = arith.constant 0 : i32
      %dma_start3A_258 = tpu.memref_slice %arg5[%squeeze3A_250, %dma_start3A_257] : memref<1000001x64xf32, #tpu.memory_space<hbm>> -> memref<1x64xf32, #tpu.memory_space<hbm>>
      tpu.enqueue_dma source(%dma_start3A_258 : memref<1x64xf32, #tpu.memory_space<hbm>>) target(%dma_start3A_256 : memref<1x64xf32, #tpu.memory_space<hbm>>) target_semaphore(%arg9 : memref<!tpu.dma_semaphore, #tpu.memory_space<semaphore_mem>>)
      %slice3A_259 = vector.extract_strided_slice %get3A_168 {offsets = [9], sizes = [1], strides = [1]} : vector<16xi32> to vector<1xi32>
      %squeeze3A_260 = vector.extract %slice3A_259[0] : i32 from vector<1xi32>
      %add3A_261 = arith.constant 16 : i32
      %add3A_262 = arith.addi %mul3A_0, %add3A_261 : i32
      %add3A_263 = arith.constant 9 : i32
      %add3A_264 = arith.addi %add3A_262, %add3A_263 : i32
      %dma_start3A_265 = arith.constant 0 : i32
      %dma_start3A_266 = tpu.memref_slice %arg7[%add3A_264, %dma_start3A_265] : memref<16384x64xf32, #tpu.memory_space<hbm>> -> memref<1x64xf32, #tpu.memory_space<hbm>>
      %dma_start3A_267 = arith.constant 0 : i32
      %dma_start3A_268 = tpu.memref_slice %arg5[%squeeze3A_260, %dma_start3A_267] : memref<1000001x64xf32, #tpu.memory_space<hbm>> -> memref<1x64xf32, #tpu.memory_space<hbm>>
      tpu.enqueue_dma source(%dma_start3A_268 : memref<1x64xf32, #tpu.memory_space<hbm>>) target(%dma_start3A_266 : memref<1x64xf32, #tpu.memory_space<hbm>>) target_semaphore(%arg9 : memref<!tpu.dma_semaphore, #tpu.memory_space<semaphore_mem>>)
      %slice3A_269 = vector.extract_strided_slice %get3A_168 {offsets = [10], sizes = [1], strides = [1]} : vector<16xi32> to vector<1xi32>
      %squeeze3A_270 = vector.extract %slice3A_269[0] : i32 from vector<1xi32>
      %add3A_271 = arith.constant 16 : i32
      %add3A_272 = arith.addi %mul3A_0, %add3A_271 : i32
      %add3A_273 = arith.constant 10 : i32
      %add3A_274 = arith.addi %add3A_272, %add3A_273 : i32
      %dma_start3A_275 = arith.constant 0 : i32
      %dma_start3A_276 = tpu.memref_slice %arg7[%add3A_274, %dma_start3A_275] : memref<16384x64xf32, #tpu.memory_space<hbm>> -> memref<1x64xf32, #tpu.memory_space<hbm>>
      %dma_start3A_277 = arith.constant 0 : i32
      %dma_start3A_278 = tpu.memref_slice %arg5[%squeeze3A_270, %dma_start3A_277] : memref<1000001x64xf32, #tpu.memory_space<hbm>> -> memref<1x64xf32, #tpu.memory_space<hbm>>
      tpu.enqueue_dma source(%dma_start3A_278 : memref<1x64xf32, #tpu.memory_space<hbm>>) target(%dma_start3A_276 : memref<1x64xf32, #tpu.memory_space<hbm>>) target_semaphore(%arg9 : memref<!tpu.dma_semaphore, #tpu.memory_space<semaphore_mem>>)
      %slice3A_279 = vector.extract_strided_slice %get3A_168 {offsets = [11], sizes = [1], strides = [1]} : vector<16xi32> to vector<1xi32>
      %squeeze3A_280 = vector.extract %slice3A_279[0] : i32 from vector<1xi32>
      %add3A_281 = arith.constant 16 : i32
      %add3A_282 = arith.addi %mul3A_0, %add3A_281 : i32
      %add3A_283 = arith.constant 11 : i32
      %add3A_284 = arith.addi %add3A_282, %add3A_283 : i32
      %dma_start3A_285 = arith.constant 0 : i32
      %dma_start3A_286 = tpu.memref_slice %arg7[%add3A_284, %dma_start3A_285] : memref<16384x64xf32, #tpu.memory_space<hbm>> -> memref<1x64xf32, #tpu.memory_space<hbm>>
      %dma_start3A_287 = arith.constant 0 : i32
      %dma_start3A_288 = tpu.memref_slice %arg5[%squeeze3A_280, %dma_start3A_287] : memref<1000001x64xf32, #tpu.memory_space<hbm>> -> memref<1x64xf32, #tpu.memory_space<hbm>>
      tpu.enqueue_dma source(%dma_start3A_288 : memref<1x64xf32, #tpu.memory_space<hbm>>) target(%dma_start3A_286 : memref<1x64xf32, #tpu.memory_space<hbm>>) target_semaphore(%arg9 : memref<!tpu.dma_semaphore, #tpu.memory_space<semaphore_mem>>)
      %slice3A_289 = vector.extract_strided_slice %get3A_168 {offsets = [12], sizes = [1], strides = [1]} : vector<16xi32> to vector<1xi32>
      %squeeze3A_290 = vector.extract %slice3A_289[0] : i32 from vector<1xi32>
      %add3A_291 = arith.constant 16 : i32
      %add3A_292 = arith.addi %mul3A_0, %add3A_291 : i32
      %add3A_293 = arith.constant 12 : i32
      %add3A_294 = arith.addi %add3A_292, %add3A_293 : i32
      %dma_start3A_295 = arith.constant 0 : i32
      %dma_start3A_296 = tpu.memref_slice %arg7[%add3A_294, %dma_start3A_295] : memref<16384x64xf32, #tpu.memory_space<hbm>> -> memref<1x64xf32, #tpu.memory_space<hbm>>
      %dma_start3A_297 = arith.constant 0 : i32
      %dma_start3A_298 = tpu.memref_slice %arg5[%squeeze3A_290, %dma_start3A_297] : memref<1000001x64xf32, #tpu.memory_space<hbm>> -> memref<1x64xf32, #tpu.memory_space<hbm>>
      tpu.enqueue_dma source(%dma_start3A_298 : memref<1x64xf32, #tpu.memory_space<hbm>>) target(%dma_start3A_296 : memref<1x64xf32, #tpu.memory_space<hbm>>) target_semaphore(%arg9 : memref<!tpu.dma_semaphore, #tpu.memory_space<semaphore_mem>>)
      %slice3A_299 = vector.extract_strided_slice %get3A_168 {offsets = [13], sizes = [1], strides = [1]} : vector<16xi32> to vector<1xi32>
      %squeeze3A_300 = vector.extract %slice3A_299[0] : i32 from vector<1xi32>
      %add3A_301 = arith.constant 16 : i32
      %add3A_302 = arith.addi %mul3A_0, %add3A_301 : i32
      %add3A_303 = arith.constant 13 : i32
      %add3A_304 = arith.addi %add3A_302, %add3A_303 : i32
      %dma_start3A_305 = arith.constant 0 : i32
      %dma_start3A_306 = tpu.memref_slice %arg7[%add3A_304, %dma_start3A_305] : memref<16384x64xf32, #tpu.memory_space<hbm>> -> memref<1x64xf32, #tpu.memory_space<hbm>>
      %dma_start3A_307 = arith.constant 0 : i32
      %dma_start3A_308 = tpu.memref_slice %arg5[%squeeze3A_300, %dma_start3A_307] : memref<1000001x64xf32, #tpu.memory_space<hbm>> -> memref<1x64xf32, #tpu.memory_space<hbm>>
      tpu.enqueue_dma source(%dma_start3A_308 : memref<1x64xf32, #tpu.memory_space<hbm>>) target(%dma_start3A_306 : memref<1x64xf32, #tpu.memory_space<hbm>>) target_semaphore(%arg9 : memref<!tpu.dma_semaphore, #tpu.memory_space<semaphore_mem>>)
      %slice3A_309 = vector.extract_strided_slice %get3A_168 {offsets = [14], sizes = [1], strides = [1]} : vector<16xi32> to vector<1xi32>
      %squeeze3A_310 = vector.extract %slice3A_309[0] : i32 from vector<1xi32>
      %add3A_311 = arith.constant 16 : i32
      %add3A_312 = arith.addi %mul3A_0, %add3A_311 : i32
      %add3A_313 = arith.constant 14 : i32
      %add3A_314 = arith.addi %add3A_312, %add3A_313 : i32
      %dma_start3A_315 = arith.constant 0 : i32
      %dma_start3A_316 = tpu.memref_slice %arg7[%add3A_314, %dma_start3A_315] : memref<16384x64xf32, #tpu.memory_space<hbm>> -> memref<1x64xf32, #tpu.memory_space<hbm>>
      %dma_start3A_317 = arith.constant 0 : i32
      %dma_start3A_318 = tpu.memref_slice %arg5[%squeeze3A_310, %dma_start3A_317] : memref<1000001x64xf32, #tpu.memory_space<hbm>> -> memref<1x64xf32, #tpu.memory_space<hbm>>
      tpu.enqueue_dma source(%dma_start3A_318 : memref<1x64xf32, #tpu.memory_space<hbm>>) target(%dma_start3A_316 : memref<1x64xf32, #tpu.memory_space<hbm>>) target_semaphore(%arg9 : memref<!tpu.dma_semaphore, #tpu.memory_space<semaphore_mem>>)
      %slice3A_319 = vector.extract_strided_slice %get3A_168 {offsets = [15], sizes = [1], strides = [1]} : vector<16xi32> to vector<1xi32>
      %squeeze3A_320 = vector.extract %slice3A_319[0] : i32 from vector<1xi32>
      %add3A_321 = arith.constant 16 : i32
      %add3A_322 = arith.addi %mul3A_0, %add3A_321 : i32
      %add3A_323 = arith.constant 15 : i32
      %add3A_324 = arith.addi %add3A_322, %add3A_323 : i32
      %dma_start3A_325 = arith.constant 0 : i32
      %dma_start3A_326 = tpu.memref_slice %arg7[%add3A_324, %dma_start3A_325] : memref<16384x64xf32, #tpu.memory_space<hbm>> -> memref<1x64xf32, #tpu.memory_space<hbm>>
      %dma_start3A_327 = arith.constant 0 : i32
      %dma_start3A_328 = tpu.memref_slice %arg5[%squeeze3A_320, %dma_start3A_327] : memref<1000001x64xf32, #tpu.memory_space<hbm>> -> memref<1x64xf32, #tpu.memory_space<hbm>>
      tpu.enqueue_dma source(%dma_start3A_328 : memref<1x64xf32, #tpu.memory_space<hbm>>) target(%dma_start3A_326 : memref<1x64xf32, #tpu.memory_space<hbm>>) target_semaphore(%arg9 : memref<!tpu.dma_semaphore, #tpu.memory_space<semaphore_mem>>)
      %scan3A = arith.constant 0 : i32
      %scan3A_329 = arith.constant 2 : i32
      %scan3A_330 = arith.constant 62 : i32
      %scan3A_331 = arith.addi %scan3A_329, %scan3A_330 : i32
      %scan3A_332 = arith.constant 1 : i32
      scf.for %scan3A_343 = %scan3A_329 to %scan3A_331 step %scan3A_332  : i32 {
        %mul3A_344 = arith.constant 16 : i32
        %mul3A_345 = arith.muli %scan3A_343, %mul3A_344 : i32
        %get3A_346 = arith.index_cast %mul3A_345 : i32 to index
        %get3A_347 = tpu.vector_load %arg8[%get3A_346] {strides = array<i32>} : memref<1040xi32, #tpu.memory_space<vmem>>, vector<16xi32>,
        %get3A_348 = vector.shape_cast %get3A_347 : vector<16xi32> to vector<16xi32>
        %slice3A_349 = vector.extract_strided_slice %get3A_348 {offsets = [0], sizes = [1], strides = [1]} : vector<16xi32> to vector<1xi32>
        %squeeze3A_350 = vector.extract %slice3A_349[0] : i32 from vector<1xi32>
        %add3A_351 = arith.addi %mul3A_0, %mul3A_345 : i32
        %add3A_352 = arith.constant 0 : i32
        %add3A_353 = arith.addi %add3A_351, %add3A_352 : i32
        %dma_start3A_354 = arith.constant 0 : i32
        %dma_start3A_355 = tpu.memref_slice %arg7[%add3A_353, %dma_start3A_354] : memref<16384x64xf32, #tpu.memory_space<hbm>> -> memref<1x64xf32, #tpu.memory_space<hbm>>
        %dma_start3A_356 = arith.constant 0 : i32
        %dma_start3A_357 = tpu.memref_slice %arg5[%squeeze3A_350, %dma_start3A_356] : memref<1000001x64xf32, #tpu.memory_space<hbm>> -> memref<1x64xf32, #tpu.memory_space<hbm>>
        tpu.enqueue_dma source(%dma_start3A_357 : memref<1x64xf32, #tpu.memory_space<hbm>>) target(%dma_start3A_355 : memref<1x64xf32, #tpu.memory_space<hbm>>) target_semaphore(%arg9 : memref<!tpu.dma_semaphore, #tpu.memory_space<semaphore_mem>>)
        %slice3A_358 = vector.extract_strided_slice %get3A_348 {offsets = [1], sizes = [1], strides = [1]} : vector<16xi32> to vector<1xi32>
        %squeeze3A_359 = vector.extract %slice3A_358[0] : i32 from vector<1xi32>
        %add3A_360 = arith.addi %mul3A_0, %mul3A_345 : i32
        %add3A_361 = arith.constant 1 : i32
        %add3A_362 = arith.addi %add3A_360, %add3A_361 : i32
        %dma_start3A_363 = arith.constant 0 : i32
        %dma_start3A_364 = tpu.memref_slice %arg7[%add3A_362, %dma_start3A_363] : memref<16384x64xf32, #tpu.memory_space<hbm>> -> memref<1x64xf32, #tpu.memory_space<hbm>>
        %dma_start3A_365 = arith.constant 0 : i32
        %dma_start3A_366 = tpu.memref_slice %arg5[%squeeze3A_359, %dma_start3A_365] : memref<1000001x64xf32, #tpu.memory_space<hbm>> -> memref<1x64xf32, #tpu.memory_space<hbm>>
        tpu.enqueue_dma source(%dma_start3A_366 : memref<1x64xf32, #tpu.memory_space<hbm>>) target(%dma_start3A_364 : memref<1x64xf32, #tpu.memory_space<hbm>>) target_semaphore(%arg9 : memref<!tpu.dma_semaphore, #tpu.memory_space<semaphore_mem>>)
        %slice3A_367 = vector.extract_strided_slice %get3A_348 {offsets = [2], sizes = [1], strides = [1]} : vector<16xi32> to vector<1xi32>
        %squeeze3A_368 = vector.extract %slice3A_367[0] : i32 from vector<1xi32>
        %add3A_369 = arith.addi %mul3A_0, %mul3A_345 : i32
        %add3A_370 = arith.constant 2 : i32
        %add3A_371 = arith.addi %add3A_369, %add3A_370 : i32
        %dma_start3A_372 = arith.constant 0 : i32
        %dma_start3A_373 = tpu.memref_slice %arg7[%add3A_371, %dma_start3A_372] : memref<16384x64xf32, #tpu.memory_space<hbm>> -> memref<1x64xf32, #tpu.memory_space<hbm>>
        %dma_start3A_374 = arith.constant 0 : i32
        %dma_start3A_375 = tpu.memref_slice %arg5[%squeeze3A_368, %dma_start3A_374] : memref<1000001x64xf32, #tpu.memory_space<hbm>> -> memref<1x64xf32, #tpu.memory_space<hbm>>
        tpu.enqueue_dma source(%dma_start3A_375 : memref<1x64xf32, #tpu.memory_space<hbm>>) target(%dma_start3A_373 : memref<1x64xf32, #tpu.memory_space<hbm>>) target_semaphore(%arg9 : memref<!tpu.dma_semaphore, #tpu.memory_space<semaphore_mem>>)
        %slice3A_376 = vector.extract_strided_slice %get3A_348 {offsets = [3], sizes = [1], strides = [1]} : vector<16xi32> to vector<1xi32>
        %squeeze3A_377 = vector.extract %slice3A_376[0] : i32 from vector<1xi32>
        %add3A_378 = arith.addi %mul3A_0, %mul3A_345 : i32
        %add3A_379 = arith.constant 3 : i32
        %add3A_380 = arith.addi %add3A_378, %add3A_379 : i32
        %dma_start3A_381 = arith.constant 0 : i32
        %dma_start3A_382 = tpu.memref_slice %arg7[%add3A_380, %dma_start3A_381] : memref<16384x64xf32, #tpu.memory_space<hbm>> -> memref<1x64xf32, #tpu.memory_space<hbm>>
        %dma_start3A_383 = arith.constant 0 : i32
        %dma_start3A_384 = tpu.memref_slice %arg5[%squeeze3A_377, %dma_start3A_383] : memref<1000001x64xf32, #tpu.memory_space<hbm>> -> memref<1x64xf32, #tpu.memory_space<hbm>>
        tpu.enqueue_dma source(%dma_start3A_384 : memref<1x64xf32, #tpu.memory_space<hbm>>) target(%dma_start3A_382 : memref<1x64xf32, #tpu.memory_space<hbm>>) target_semaphore(%arg9 : memref<!tpu.dma_semaphore, #tpu.memory_space<semaphore_mem>>)
        %slice3A_385 = vector.extract_strided_slice %get3A_348 {offsets = [4], sizes = [1], strides = [1]} : vector<16xi32> to vector<1xi32>
        %squeeze3A_386 = vector.extract %slice3A_385[0] : i32 from vector<1xi32>
        %add3A_387 = arith.addi %mul3A_0, %mul3A_345 : i32
        %add3A_388 = arith.constant 4 : i32
        %add3A_389 = arith.addi %add3A_387, %add3A_388 : i32
        %dma_start3A_390 = arith.constant 0 : i32
        %dma_start3A_391 = tpu.memref_slice %arg7[%add3A_389, %dma_start3A_390] : memref<16384x64xf32, #tpu.memory_space<hbm>> -> memref<1x64xf32, #tpu.memory_space<hbm>>
        %dma_start3A_392 = arith.constant 0 : i32
        %dma_start3A_393 = tpu.memref_slice %arg5[%squeeze3A_386, %dma_start3A_392] : memref<1000001x64xf32, #tpu.memory_space<hbm>> -> memref<1x64xf32, #tpu.memory_space<hbm>>
        tpu.enqueue_dma source(%dma_start3A_393 : memref<1x64xf32, #tpu.memory_space<hbm>>) target(%dma_start3A_391 : memref<1x64xf32, #tpu.memory_space<hbm>>) target_semaphore(%arg9 : memref<!tpu.dma_semaphore, #tpu.memory_space<semaphore_mem>>)
        %slice3A_394 = vector.extract_strided_slice %get3A_348 {offsets = [5], sizes = [1], strides = [1]} : vector<16xi32> to vector<1xi32>
        %squeeze3A_395 = vector.extract %slice3A_394[0] : i32 from vector<1xi32>
        %add3A_396 = arith.addi %mul3A_0, %mul3A_345 : i32
        %add3A_397 = arith.constant 5 : i32
        %add3A_398 = arith.addi %add3A_396, %add3A_397 : i32
        %dma_start3A_399 = arith.constant 0 : i32
        %dma_start3A_400 = tpu.memref_slice %arg7[%add3A_398, %dma_start3A_399] : memref<16384x64xf32, #tpu.memory_space<hbm>> -> memref<1x64xf32, #tpu.memory_space<hbm>>
        %dma_start3A_401 = arith.constant 0 : i32
        %dma_start3A_402 = tpu.memref_slice %arg5[%squeeze3A_395, %dma_start3A_401] : memref<1000001x64xf32, #tpu.memory_space<hbm>> -> memref<1x64xf32, #tpu.memory_space<hbm>>
        tpu.enqueue_dma source(%dma_start3A_402 : memref<1x64xf32, #tpu.memory_space<hbm>>) target(%dma_start3A_400 : memref<1x64xf32, #tpu.memory_space<hbm>>) target_semaphore(%arg9 : memref<!tpu.dma_semaphore, #tpu.memory_space<semaphore_mem>>)
        %slice3A_403 = vector.extract_strided_slice %get3A_348 {offsets = [6], sizes = [1], strides = [1]} : vector<16xi32> to vector<1xi32>
        %squeeze3A_404 = vector.extract %slice3A_403[0] : i32 from vector<1xi32>
        %add3A_405 = arith.addi %mul3A_0, %mul3A_345 : i32
        %add3A_406 = arith.constant 6 : i32
        %add3A_407 = arith.addi %add3A_405, %add3A_406 : i32
        %dma_start3A_408 = arith.constant 0 : i32
        %dma_start3A_409 = tpu.memref_slice %arg7[%add3A_407, %dma_start3A_408] : memref<16384x64xf32, #tpu.memory_space<hbm>> -> memref<1x64xf32, #tpu.memory_space<hbm>>
        %dma_start3A_410 = arith.constant 0 : i32
        %dma_start3A_411 = tpu.memref_slice %arg5[%squeeze3A_404, %dma_start3A_410] : memref<1000001x64xf32, #tpu.memory_space<hbm>> -> memref<1x64xf32, #tpu.memory_space<hbm>>
        tpu.enqueue_dma source(%dma_start3A_411 : memref<1x64xf32, #tpu.memory_space<hbm>>) target(%dma_start3A_409 : memref<1x64xf32, #tpu.memory_space<hbm>>) target_semaphore(%arg9 : memref<!tpu.dma_semaphore, #tpu.memory_space<semaphore_mem>>)
        %slice3A_412 = vector.extract_strided_slice %get3A_348 {offsets = [7], sizes = [1], strides = [1]} : vector<16xi32> to vector<1xi32>
        %squeeze3A_413 = vector.extract %slice3A_412[0] : i32 from vector<1xi32>
        %add3A_414 = arith.addi %mul3A_0, %mul3A_345 : i32
        %add3A_415 = arith.constant 7 : i32
        %add3A_416 = arith.addi %add3A_414, %add3A_415 : i32
        %dma_start3A_417 = arith.constant 0 : i32
        %dma_start3A_418 = tpu.memref_slice %arg7[%add3A_416, %dma_start3A_417] : memref<16384x64xf32, #tpu.memory_space<hbm>> -> memref<1x64xf32, #tpu.memory_space<hbm>>
        %dma_start3A_419 = arith.constant 0 : i32
        %dma_start3A_420 = tpu.memref_slice %arg5[%squeeze3A_413, %dma_start3A_419] : memref<1000001x64xf32, #tpu.memory_space<hbm>> -> memref<1x64xf32, #tpu.memory_space<hbm>>
        tpu.enqueue_dma source(%dma_start3A_420 : memref<1x64xf32, #tpu.memory_space<hbm>>) target(%dma_start3A_418 : memref<1x64xf32, #tpu.memory_space<hbm>>) target_semaphore(%arg9 : memref<!tpu.dma_semaphore, #tpu.memory_space<semaphore_mem>>)
        %slice3A_421 = vector.extract_strided_slice %get3A_348 {offsets = [8], sizes = [1], strides = [1]} : vector<16xi32> to vector<1xi32>
        %squeeze3A_422 = vector.extract %slice3A_421[0] : i32 from vector<1xi32>
        %add3A_423 = arith.addi %mul3A_0, %mul3A_345 : i32
        %add3A_424 = arith.constant 8 : i32
        %add3A_425 = arith.addi %add3A_423, %add3A_424 : i32
        %dma_start3A_426 = arith.constant 0 : i32
        %dma_start3A_427 = tpu.memref_slice %arg7[%add3A_425, %dma_start3A_426] : memref<16384x64xf32, #tpu.memory_space<hbm>> -> memref<1x64xf32, #tpu.memory_space<hbm>>
        %dma_start3A_428 = arith.constant 0 : i32
        %dma_start3A_429 = tpu.memref_slice %arg5[%squeeze3A_422, %dma_start3A_428] : memref<1000001x64xf32, #tpu.memory_space<hbm>> -> memref<1x64xf32, #tpu.memory_space<hbm>>
        tpu.enqueue_dma source(%dma_start3A_429 : memref<1x64xf32, #tpu.memory_space<hbm>>) target(%dma_start3A_427 : memref<1x64xf32, #tpu.memory_space<hbm>>) target_semaphore(%arg9 : memref<!tpu.dma_semaphore, #tpu.memory_space<semaphore_mem>>)
        %slice3A_430 = vector.extract_strided_slice %get3A_348 {offsets = [9], sizes = [1], strides = [1]} : vector<16xi32> to vector<1xi32>
        %squeeze3A_431 = vector.extract %slice3A_430[0] : i32 from vector<1xi32>
        %add3A_432 = arith.addi %mul3A_0, %mul3A_345 : i32
        %add3A_433 = arith.constant 9 : i32
        %add3A_434 = arith.addi %add3A_432, %add3A_433 : i32
        %dma_start3A_435 = arith.constant 0 : i32
        %dma_start3A_436 = tpu.memref_slice %arg7[%add3A_434, %dma_start3A_435] : memref<16384x64xf32, #tpu.memory_space<hbm>> -> memref<1x64xf32, #tpu.memory_space<hbm>>
        %dma_start3A_437 = arith.constant 0 : i32
        %dma_start3A_438 = tpu.memref_slice %arg5[%squeeze3A_431, %dma_start3A_437] : memref<1000001x64xf32, #tpu.memory_space<hbm>> -> memref<1x64xf32, #tpu.memory_space<hbm>>
        tpu.enqueue_dma source(%dma_start3A_438 : memref<1x64xf32, #tpu.memory_space<hbm>>) target(%dma_start3A_436 : memref<1x64xf32, #tpu.memory_space<hbm>>) target_semaphore(%arg9 : memref<!tpu.dma_semaphore, #tpu.memory_space<semaphore_mem>>)
        %slice3A_439 = vector.extract_strided_slice %get3A_348 {offsets = [10], sizes = [1], strides = [1]} : vector<16xi32> to vector<1xi32>
        %squeeze3A_440 = vector.extract %slice3A_439[0] : i32 from vector<1xi32>
        %add3A_441 = arith.addi %mul3A_0, %mul3A_345 : i32
        %add3A_442 = arith.constant 10 : i32
        %add3A_443 = arith.addi %add3A_441, %add3A_442 : i32
        %dma_start3A_444 = arith.constant 0 : i32
        %dma_start3A_445 = tpu.memref_slice %arg7[%add3A_443, %dma_start3A_444] : memref<16384x64xf32, #tpu.memory_space<hbm>> -> memref<1x64xf32, #tpu.memory_space<hbm>>
        %dma_start3A_446 = arith.constant 0 : i32
        %dma_start3A_447 = tpu.memref_slice %arg5[%squeeze3A_440, %dma_start3A_446] : memref<1000001x64xf32, #tpu.memory_space<hbm>> -> memref<1x64xf32, #tpu.memory_space<hbm>>
        tpu.enqueue_dma source(%dma_start3A_447 : memref<1x64xf32, #tpu.memory_space<hbm>>) target(%dma_start3A_445 : memref<1x64xf32, #tpu.memory_space<hbm>>) target_semaphore(%arg9 : memref<!tpu.dma_semaphore, #tpu.memory_space<semaphore_mem>>)
        %slice3A_448 = vector.extract_strided_slice %get3A_348 {offsets = [11], sizes = [1], strides = [1]} : vector<16xi32> to vector<1xi32>
        %squeeze3A_449 = vector.extract %slice3A_448[0] : i32 from vector<1xi32>
        %add3A_450 = arith.addi %mul3A_0, %mul3A_345 : i32
        %add3A_451 = arith.constant 11 : i32
        %add3A_452 = arith.addi %add3A_450, %add3A_451 : i32
        %dma_start3A_453 = arith.constant 0 : i32
        %dma_start3A_454 = tpu.memref_slice %arg7[%add3A_452, %dma_start3A_453] : memref<16384x64xf32, #tpu.memory_space<hbm>> -> memref<1x64xf32, #tpu.memory_space<hbm>>
        %dma_start3A_455 = arith.constant 0 : i32
        %dma_start3A_456 = tpu.memref_slice %arg5[%squeeze3A_449, %dma_start3A_455] : memref<1000001x64xf32, #tpu.memory_space<hbm>> -> memref<1x64xf32, #tpu.memory_space<hbm>>
        tpu.enqueue_dma source(%dma_start3A_456 : memref<1x64xf32, #tpu.memory_space<hbm>>) target(%dma_start3A_454 : memref<1x64xf32, #tpu.memory_space<hbm>>) target_semaphore(%arg9 : memref<!tpu.dma_semaphore, #tpu.memory_space<semaphore_mem>>)
        %slice3A_457 = vector.extract_strided_slice %get3A_348 {offsets = [12], sizes = [1], strides = [1]} : vector<16xi32> to vector<1xi32>
        %squeeze3A_458 = vector.extract %slice3A_457[0] : i32 from vector<1xi32>
        %add3A_459 = arith.addi %mul3A_0, %mul3A_345 : i32
        %add3A_460 = arith.constant 12 : i32
        %add3A_461 = arith.addi %add3A_459, %add3A_460 : i32
        %dma_start3A_462 = arith.constant 0 : i32
        %dma_start3A_463 = tpu.memref_slice %arg7[%add3A_461, %dma_start3A_462] : memref<16384x64xf32, #tpu.memory_space<hbm>> -> memref<1x64xf32, #tpu.memory_space<hbm>>
        %dma_start3A_464 = arith.constant 0 : i32
        %dma_start3A_465 = tpu.memref_slice %arg5[%squeeze3A_458, %dma_start3A_464] : memref<1000001x64xf32, #tpu.memory_space<hbm>> -> memref<1x64xf32, #tpu.memory_space<hbm>>
        tpu.enqueue_dma source(%dma_start3A_465 : memref<1x64xf32, #tpu.memory_space<hbm>>) target(%dma_start3A_463 : memref<1x64xf32, #tpu.memory_space<hbm>>) target_semaphore(%arg9 : memref<!tpu.dma_semaphore, #tpu.memory_space<semaphore_mem>>)
        %slice3A_466 = vector.extract_strided_slice %get3A_348 {offsets = [13], sizes = [1], strides = [1]} : vector<16xi32> to vector<1xi32>
        %squeeze3A_467 = vector.extract %slice3A_466[0] : i32 from vector<1xi32>
        %add3A_468 = arith.addi %mul3A_0, %mul3A_345 : i32
        %add3A_469 = arith.constant 13 : i32
        %add3A_470 = arith.addi %add3A_468, %add3A_469 : i32
        %dma_start3A_471 = arith.constant 0 : i32
        %dma_start3A_472 = tpu.memref_slice %arg7[%add3A_470, %dma_start3A_471] : memref<16384x64xf32, #tpu.memory_space<hbm>> -> memref<1x64xf32, #tpu.memory_space<hbm>>
        %dma_start3A_473 = arith.constant 0 : i32
        %dma_start3A_474 = tpu.memref_slice %arg5[%squeeze3A_467, %dma_start3A_473] : memref<1000001x64xf32, #tpu.memory_space<hbm>> -> memref<1x64xf32, #tpu.memory_space<hbm>>
        tpu.enqueue_dma source(%dma_start3A_474 : memref<1x64xf32, #tpu.memory_space<hbm>>) target(%dma_start3A_472 : memref<1x64xf32, #tpu.memory_space<hbm>>) target_semaphore(%arg9 : memref<!tpu.dma_semaphore, #tpu.memory_space<semaphore_mem>>)
        %slice3A_475 = vector.extract_strided_slice %get3A_348 {offsets = [14], sizes = [1], strides = [1]} : vector<16xi32> to vector<1xi32>
        %squeeze3A_476 = vector.extract %slice3A_475[0] : i32 from vector<1xi32>
        %add3A_477 = arith.addi %mul3A_0, %mul3A_345 : i32
        %add3A_478 = arith.constant 14 : i32
        %add3A_479 = arith.addi %add3A_477, %add3A_478 : i32
        %dma_start3A_480 = arith.constant 0 : i32
        %dma_start3A_481 = tpu.memref_slice %arg7[%add3A_479, %dma_start3A_480] : memref<16384x64xf32, #tpu.memory_space<hbm>> -> memref<1x64xf32, #tpu.memory_space<hbm>>
        %dma_start3A_482 = arith.constant 0 : i32
        %dma_start3A_483 = tpu.memref_slice %arg5[%squeeze3A_476, %dma_start3A_482] : memref<1000001x64xf32, #tpu.memory_space<hbm>> -> memref<1x64xf32, #tpu.memory_space<hbm>>
        tpu.enqueue_dma source(%dma_start3A_483 : memref<1x64xf32, #tpu.memory_space<hbm>>) target(%dma_start3A_481 : memref<1x64xf32, #tpu.memory_space<hbm>>) target_semaphore(%arg9 : memref<!tpu.dma_semaphore, #tpu.memory_space<semaphore_mem>>)
        %slice3A_484 = vector.extract_strided_slice %get3A_348 {offsets = [15], sizes = [1], strides = [1]} : vector<16xi32> to vector<1xi32>
        %squeeze3A_485 = vector.extract %slice3A_484[0] : i32 from vector<1xi32>
        %add3A_486 = arith.addi %mul3A_0, %mul3A_345 : i32
        %add3A_487 = arith.constant 15 : i32
        %add3A_488 = arith.addi %add3A_486, %add3A_487 : i32
        %dma_start3A_489 = arith.constant 0 : i32
        %dma_start3A_490 = tpu.memref_slice %arg7[%add3A_488, %dma_start3A_489] : memref<16384x64xf32, #tpu.memory_space<hbm>> -> memref<1x64xf32, #tpu.memory_space<hbm>>
        %dma_start3A_491 = arith.constant 0 : i32
        %dma_start3A_492 = tpu.memref_slice %arg5[%squeeze3A_485, %dma_start3A_491] : memref<1000001x64xf32, #tpu.memory_space<hbm>> -> memref<1x64xf32, #tpu.memory_space<hbm>>
        tpu.enqueue_dma source(%dma_start3A_492 : memref<1x64xf32, #tpu.memory_space<hbm>>) target(%dma_start3A_490 : memref<1x64xf32, #tpu.memory_space<hbm>>) target_semaphore(%arg9 : memref<!tpu.dma_semaphore, #tpu.memory_space<semaphore_mem>>)
        %dma_wait3A_493 = arith.constant 0 : i32
        %dma_wait3A_494 = tpu.memref_slice %arg7[%mul3A_0, %dma_wait3A_493] : memref<16384x64xf32, #tpu.memory_space<hbm>> -> memref<16x64xf32, #tpu.memory_space<hbm>>
        %dma_wait3A_495 = arith.constant 0 : i32
        %dma_wait3A_496 = arith.constant 0 : i32
        %dma_wait3A_497 = tpu.memref_slice %arg5[%dma_wait3A_495, %dma_wait3A_496] : memref<1000001x64xf32, #tpu.memory_space<hbm>> -> memref<16x64xf32, #tpu.memory_space<hbm>>
        tpu.wait_dma2 semaphore(%arg9 : memref<!tpu.dma_semaphore, #tpu.memory_space<semaphore_mem>>) src(%dma_wait3A_497 : memref<16x64xf32, #tpu.memory_space<hbm>>) dst(%dma_wait3A_494 : memref<16x64xf32, #tpu.memory_space<hbm>>)
      }
      %scan3A_333 = arith.constant 62 : i32
      %dma_wait3A = arith.constant 0 : i32
      %dma_wait3A_334 = tpu.memref_slice %arg7[%mul3A_0, %dma_wait3A] : memref<16384x64xf32, #tpu.memory_space<hbm>> -> memref<16x64xf32, #tpu.memory_space<hbm>>
      %dma_wait3A_335 = arith.constant 0 : i32
      %dma_wait3A_336 = arith.constant 0 : i32
      %dma_wait3A_337 = tpu.memref_slice %arg5[%dma_wait3A_335, %dma_wait3A_336] : memref<1000001x64xf32, #tpu.memory_space<hbm>> -> memref<16x64xf32, #tpu.memory_space<hbm>>
      tpu.wait_dma2 semaphore(%arg9 : memref<!tpu.dma_semaphore, #tpu.memory_space<semaphore_mem>>) src(%dma_wait3A_337 : memref<16x64xf32, #tpu.memory_space<hbm>>) dst(%dma_wait3A_334 : memref<16x64xf32, #tpu.memory_space<hbm>>)
      %dma_wait3A_338 = arith.constant 0 : i32
      %dma_wait3A_339 = tpu.memref_slice %arg7[%mul3A_0, %dma_wait3A_338] : memref<16384x64xf32, #tpu.memory_space<hbm>> -> memref<16x64xf32, #tpu.memory_space<hbm>>
      %dma_wait3A_340 = arith.constant 0 : i32
      %dma_wait3A_341 = arith.constant 0 : i32
      %dma_wait3A_342 = tpu.memref_slice %arg5[%dma_wait3A_340, %dma_wait3A_341] : memref<1000001x64xf32, #tpu.memory_space<hbm>> -> memref<16x64xf32, #tpu.memory_space<hbm>>
      tpu.wait_dma2 semaphore(%arg9 : memref<!tpu.dma_semaphore, #tpu.memory_space<semaphore_mem>>) src(%dma_wait3A_342 : memref<16x64xf32, #tpu.memory_space<hbm>>) dst(%dma_wait3A_339 : memref<16x64xf32, #tpu.memory_space<hbm>>)
    } else {
    }
    return
  }
}

module attributes {stable_mosaic.version = 14 : i64} {
  func.func @_mlp_body(%arg0: memref<16384x64xf32, #tpu.memory_space<vmem>>, %arg1: memref<16384x64xf32, #tpu.memory_space<vmem>>, %arg2: memref<64x64xf32, #tpu.memory_space<vmem>>, %arg3: memref<64x64xf32, #tpu.memory_space<vmem>>, %arg4: memref<1x64xf32, #tpu.memory_space<vmem>>, %arg5: memref<1x64xf32, #tpu.memory_space<vmem>>, %arg6: memref<1x64xf32, #tpu.memory_space<vmem>>, %arg7: memref<32x64xf32, #tpu.memory_space<vmem>>, %arg8: memref<1x32xf32, #tpu.memory_space<vmem>>, %arg9: memref<1x32xf32, #tpu.memory_space<vmem>>, %arg10: memref<1x32xf32, #tpu.memory_space<vmem>>, %arg11: memref<1x64xf32, #tpu.memory_space<vmem>>, %arg12: memref<1x32xf32, #tpu.memory_space<vmem>>, %arg13: memref<1x1xf32, #tpu.memory_space<vmem>>, %arg14: memref<16384x1xf32, #tpu.memory_space<vmem>>) attributes {dimension_semantics = [], scalar_prefetch = 0 : i64, scratch_operands = 0 : i64, tpu.core_type = #tpu.core_type<tc>} {
    %get3A = arith.constant 0 : index
    %get3A_0 = arith.constant 0 : index
    %get3A_1 = vector.load %arg0[%get3A, %get3A_0] : memref<16384x64xf32, #tpu.memory_space<vmem>>, vector<16384x64xf32>
    %get3A_2 = arith.constant 0 : index
    %get3A_3 = arith.constant 0 : index
    %get3A_4 = vector.load %arg1[%get3A_2, %get3A_3] : memref<16384x64xf32, #tpu.memory_space<vmem>>, vector<16384x64xf32>
    %get3A_5 = arith.constant 0 : index
    %get3A_6 = arith.constant 0 : index
    %get3A_7 = vector.load %arg2[%get3A_5, %get3A_6] : memref<64x64xf32, #tpu.memory_space<vmem>>, vector<64x64xf32>
    %dot_general3A = arith.constant dense<0.000000e+00> : vector<16384x64xf32>
    %dot_general3A_8 = tpu.matmul %get3A_1, %get3A_7, %dot_general3A {dimension_numbers = #tpu.dot_dimension_numbers<[1], [1], [0], [0], [0, 0, 1, 0], [], []>, transpose_lhs_hint = false} : vector<16384x64xf32>, vector<64x64xf32>, vector<16384x64xf32> -> vector<16384x64xf32>
    %get3A_9 = arith.constant 0 : index
    %get3A_10 = arith.constant 0 : index
    %get3A_11 = vector.load %arg3[%get3A_9, %get3A_10] : memref<64x64xf32, #tpu.memory_space<vmem>>, vector<64x64xf32>
    %dot_general3A_12 = arith.constant dense<0.000000e+00> : vector<16384x64xf32>
    %dot_general3A_13 = tpu.matmul %get3A_4, %get3A_11, %dot_general3A_12 {dimension_numbers = #tpu.dot_dimension_numbers<[1], [1], [0], [0], [0, 0, 1, 0], [], []>, transpose_lhs_hint = false} : vector<16384x64xf32>, vector<64x64xf32>, vector<16384x64xf32> -> vector<16384x64xf32>
    %add3A = arith.addf %dot_general3A_8, %dot_general3A_13 : vector<16384x64xf32>
    %get3A_14 = arith.constant 0 : index
    %get3A_15 = arith.constant 0 : index
    %get3A_16 = vector.load %arg4[%get3A_14, %get3A_15] : memref<1x64xf32, #tpu.memory_space<vmem>>, vector<1x64xf32>
    %add3A_17 = vector.broadcast %get3A_16 : vector<1x64xf32> to vector<16384x64xf32>
    %add3A_18 = arith.addf %add3A, %add3A_17 : vector<16384x64xf32>
    %reduce_sum3A = arith.constant dense<0.000000e+00> : vector<64xf32>
    %reduce_sum3A_19 = vector.multi_reduction <add>, %add3A_18, %reduce_sum3A [0] : vector<16384x64xf32> to vector<64xf32>
    %broadcast_in_dim3A = vector.shape_cast %reduce_sum3A_19 : vector<64xf32> to vector<1x64xf32>
    %div3A = arith.constant 1.638400e+04 : f32
    %div3A_20 = vector.broadcast %div3A : f32 to vector<1x64xf32>
    %div3A_21 = arith.divf %broadcast_in_dim3A, %div3A_20 : vector<1x64xf32>
    %sub3A = vector.broadcast %div3A_21 : vector<1x64xf32> to vector<16384x64xf32>
    %sub3A_22 = arith.subf %add3A_18, %sub3A : vector<16384x64xf32>
    %integer_pow3A = arith.mulf %sub3A_22, %sub3A_22 : vector<16384x64xf32>
    %reduce_sum3A_23 = arith.constant dense<0.000000e+00> : vector<64xf32>
    %reduce_sum3A_24 = vector.multi_reduction <add>, %integer_pow3A, %reduce_sum3A_23 [0] : vector<16384x64xf32> to vector<64xf32>
    %broadcast_in_dim3A_25 = vector.shape_cast %reduce_sum3A_24 : vector<64xf32> to vector<1x64xf32>
    %div3A_26 = arith.constant 1.638400e+04 : f32
    %div3A_27 = vector.broadcast %div3A_26 : f32 to vector<1x64xf32>
    %div3A_28 = arith.divf %broadcast_in_dim3A_25, %div3A_27 : vector<1x64xf32>
    %sub3A_29 = vector.broadcast %div3A_21 : vector<1x64xf32> to vector<16384x64xf32>
    %sub3A_30 = arith.subf %add3A_18, %sub3A_29 : vector<16384x64xf32>
    %add3A_31 = arith.constant 9.99999974E-6 : f32
    %add3A_32 = vector.broadcast %add3A_31 : f32 to vector<1x64xf32>
    %add3A_33 = arith.addf %div3A_28, %add3A_32 : vector<1x64xf32>
    %rsqrt3A = math.rsqrt %add3A_33 : vector<1x64xf32>
    %mul3A = vector.broadcast %rsqrt3A : vector<1x64xf32> to vector<16384x64xf32>
    %mul3A_34 = arith.mulf %sub3A_30, %mul3A : vector<16384x64xf32>
    %get3A_35 = arith.constant 0 : index
    %get3A_36 = arith.constant 0 : index
    %get3A_37 = vector.load %arg5[%get3A_35, %get3A_36] : memref<1x64xf32, #tpu.memory_space<vmem>>, vector<1x64xf32>
    %mul3A_38 = vector.broadcast %get3A_37 : vector<1x64xf32> to vector<16384x64xf32>
    %mul3A_39 = arith.mulf %mul3A_34, %mul3A_38 : vector<16384x64xf32>
    %get3A_40 = arith.constant 0 : index
    %get3A_41 = arith.constant 0 : index
    %get3A_42 = vector.load %arg6[%get3A_40, %get3A_41] : memref<1x64xf32, #tpu.memory_space<vmem>>, vector<1x64xf32>
    %add3A_43 = vector.broadcast %get3A_42 : vector<1x64xf32> to vector<16384x64xf32>
    %add3A_44 = arith.addf %mul3A_39, %add3A_43 : vector<16384x64xf32>
    %max3A = arith.constant 0.000000e+00 : f32
    %max3A_45 = vector.broadcast %max3A : f32 to vector<16384x64xf32>
    %max3A_46 = arith.maximumf %add3A_44, %max3A_45 : vector<16384x64xf32>
    %get3A_47 = arith.constant 0 : index
    %get3A_48 = arith.constant 0 : index
    %get3A_49 = vector.load %arg7[%get3A_47, %get3A_48] : memref<32x64xf32, #tpu.memory_space<vmem>>, vector<32x64xf32>
    %dot_general3A_50 = arith.constant dense<0.000000e+00> : vector<16384x32xf32>
    %dot_general3A_51 = tpu.matmul %max3A_46, %get3A_49, %dot_general3A_50 {dimension_numbers = #tpu.dot_dimension_numbers<[1], [1], [0], [0], [0, 0, 1, 0], [], []>, transpose_lhs_hint = false} : vector<16384x64xf32>, vector<32x64xf32>, vector<16384x32xf32> -> vector<16384x32xf32>
    %get3A_52 = arith.constant 0 : index
    %get3A_53 = arith.constant 0 : index
    %get3A_54 = vector.load %arg8[%get3A_52, %get3A_53] : memref<1x32xf32, #tpu.memory_space<vmem>>, vector<1x32xf32>
    %add3A_55 = vector.broadcast %get3A_54 : vector<1x32xf32> to vector<16384x32xf32>
    %add3A_56 = arith.addf %dot_general3A_51, %add3A_55 : vector<16384x32xf32>
    %reduce_sum3A_57 = arith.constant dense<0.000000e+00> : vector<32xf32>
    %reduce_sum3A_58 = vector.multi_reduction <add>, %add3A_56, %reduce_sum3A_57 [0] : vector<16384x32xf32> to vector<32xf32>
    %broadcast_in_dim3A_59 = vector.shape_cast %reduce_sum3A_58 : vector<32xf32> to vector<1x32xf32>
    %div3A_60 = arith.constant 1.638400e+04 : f32
    %div3A_61 = vector.broadcast %div3A_60 : f32 to vector<1x32xf32>
    %div3A_62 = arith.divf %broadcast_in_dim3A_59, %div3A_61 : vector<1x32xf32>
    %sub3A_63 = vector.broadcast %div3A_62 : vector<1x32xf32> to vector<16384x32xf32>
    %sub3A_64 = arith.subf %add3A_56, %sub3A_63 : vector<16384x32xf32>
    %integer_pow3A_65 = arith.mulf %sub3A_64, %sub3A_64 : vector<16384x32xf32>
    %reduce_sum3A_66 = arith.constant dense<0.000000e+00> : vector<32xf32>
    %reduce_sum3A_67 = vector.multi_reduction <add>, %integer_pow3A_65, %reduce_sum3A_66 [0] : vector<16384x32xf32> to vector<32xf32>
    %broadcast_in_dim3A_68 = vector.shape_cast %reduce_sum3A_67 : vector<32xf32> to vector<1x32xf32>
    %div3A_69 = arith.constant 1.638400e+04 : f32
    %div3A_70 = vector.broadcast %div3A_69 : f32 to vector<1x32xf32>
    %div3A_71 = arith.divf %broadcast_in_dim3A_68, %div3A_70 : vector<1x32xf32>
    %sub3A_72 = vector.broadcast %div3A_62 : vector<1x32xf32> to vector<16384x32xf32>
    %sub3A_73 = arith.subf %add3A_56, %sub3A_72 : vector<16384x32xf32>
    %add3A_74 = arith.constant 9.99999974E-6 : f32
    %add3A_75 = vector.broadcast %add3A_74 : f32 to vector<1x32xf32>
    %add3A_76 = arith.addf %div3A_71, %add3A_75 : vector<1x32xf32>
    %rsqrt3A_77 = math.rsqrt %add3A_76 : vector<1x32xf32>
    %mul3A_78 = vector.broadcast %rsqrt3A_77 : vector<1x32xf32> to vector<16384x32xf32>
    %mul3A_79 = arith.mulf %sub3A_73, %mul3A_78 : vector<16384x32xf32>
    %get3A_80 = arith.constant 0 : index
    %get3A_81 = arith.constant 0 : index
    %get3A_82 = vector.load %arg9[%get3A_80, %get3A_81] : memref<1x32xf32, #tpu.memory_space<vmem>>, vector<1x32xf32>
    %mul3A_83 = vector.broadcast %get3A_82 : vector<1x32xf32> to vector<16384x32xf32>
    %mul3A_84 = arith.mulf %mul3A_79, %mul3A_83 : vector<16384x32xf32>
    %get3A_85 = arith.constant 0 : index
    %get3A_86 = arith.constant 0 : index
    %get3A_87 = vector.load %arg10[%get3A_85, %get3A_86] : memref<1x32xf32, #tpu.memory_space<vmem>>, vector<1x32xf32>
    %add3A_88 = vector.broadcast %get3A_87 : vector<1x32xf32> to vector<16384x32xf32>
    %add3A_89 = arith.addf %mul3A_84, %add3A_88 : vector<16384x32xf32>
    %max3A_90 = arith.constant 0.000000e+00 : f32
    %max3A_91 = vector.broadcast %max3A_90 : f32 to vector<16384x32xf32>
    %max3A_92 = arith.maximumf %add3A_89, %max3A_91 : vector<16384x32xf32>
    %mul3A_93 = arith.mulf %get3A_1, %get3A_4 : vector<16384x64xf32>
    %get3A_94 = arith.constant 0 : index
    %get3A_95 = arith.constant 0 : index
    %get3A_96 = vector.load %arg11[%get3A_94, %get3A_95] : memref<1x64xf32, #tpu.memory_space<vmem>>, vector<1x64xf32>
    %dot_general3A_97 = arith.constant dense<0.000000e+00> : vector<16384x1xf32>
    %dot_general3A_98 = tpu.matmul %mul3A_93, %get3A_96, %dot_general3A_97 {dimension_numbers = #tpu.dot_dimension_numbers<[1], [1], [0], [0], [0, 0, 1, 0], [], []>, transpose_lhs_hint = false} : vector<16384x64xf32>, vector<1x64xf32>, vector<16384x1xf32> -> vector<16384x1xf32>
    %get3A_99 = arith.constant 0 : index
    %get3A_100 = arith.constant 0 : index
    %get3A_101 = vector.load %arg12[%get3A_99, %get3A_100] : memref<1x32xf32, #tpu.memory_space<vmem>>, vector<1x32xf32>
    %dot_general3A_102 = arith.constant dense<0.000000e+00> : vector<16384x1xf32>
    %dot_general3A_103 = tpu.matmul %max3A_92, %get3A_101, %dot_general3A_102 {dimension_numbers = #tpu.dot_dimension_numbers<[1], [1], [0], [0], [0, 0, 1, 0], [], []>, transpose_lhs_hint = false} : vector<16384x32xf32>, vector<1x32xf32>, vector<16384x1xf32> -> vector<16384x1xf32>
    %add3A_104 = arith.addf %dot_general3A_98, %dot_general3A_103 : vector<16384x1xf32>
    %get3A_105 = arith.constant 0 : index
    %get3A_106 = arith.constant 0 : index
    %get3A_107 = vector.load %arg13[%get3A_105, %get3A_106] : memref<1x1xf32, #tpu.memory_space<vmem>>, vector<1x1xf32>
    %add3A_108 = vector.broadcast %get3A_107 : vector<1x1xf32> to vector<16384x1xf32>
    %add3A_109 = arith.addf %add3A_104, %add3A_108 : vector<16384x1xf32>
    %neg3A = arith.constant 0.000000e+00 : f32
    %neg3A_110 = vector.broadcast %neg3A : f32 to vector<16384x1xf32>
    %neg3A_111 = arith.subf %neg3A_110, %add3A_109 : vector<16384x1xf32>
    %exp3A = math.exp %neg3A_111 : vector<16384x1xf32>
    %add3A_112 = arith.constant 1.000000e+00 : f32
    %add3A_113 = vector.broadcast %add3A_112 : f32 to vector<16384x1xf32>
    %add3A_114 = arith.addf %add3A_113, %exp3A : vector<16384x1xf32>
    %div3A_115 = arith.constant 4.500000e+00 : f32
    %div3A_116 = vector.broadcast %div3A_115 : f32 to vector<16384x1xf32>
    %div3A_117 = arith.divf %div3A_116, %add3A_114 : vector<16384x1xf32>
    %add3A_118 = arith.constant 5.000000e-01 : f32
    %add3A_119 = vector.broadcast %add3A_118 : f32 to vector<16384x1xf32>
    %add3A_120 = arith.addf %div3A_117, %add3A_119 : vector<16384x1xf32>
    %swap3A = arith.constant 0 : index
    %swap3A_121 = arith.constant 0 : index
    %swap3A_122 = vector.load %arg14[%swap3A, %swap3A_121] : memref<16384x1xf32, #tpu.memory_space<vmem>>, vector<16384x1xf32>
    tpu.vector_store %arg14[%swap3A, %swap3A_121], %add3A_120 {strides = array<i32>} : memref<16384x1xf32, #tpu.memory_space<vmem>>, vector<16384x1xf32>,
    return
  }
}

</mosaic_0001>

<sc_bundles>
// kernel: kernel.4.cloned.1.call-start
scs
__scs_entry_jumppad:
0x0: {  	(pc) =	sbr.rel $0x88, $3  }
0x1: {  	(tag) =	ssettag $0x0;
	lr =	simm.s32 $0x1  }
0x2: {  	[smem:$0x3F93] =	sst lr;
	_ =	strace $0xD0000000  }
0x3: {  	_ = 	snop  }
0x4: {  	_ = 	snop  }
0x5: {  	_ = 	snop  }
0x6: {  	_ = 	snop  }
0x7: {  	_ = 	snop  }
__scs_overlays_trampoline_lowered:
0x8: {  	[smem:$0x3FA2] =	sst s0  }
0x9: {  	[smem:$0x3FA3] =	sst s1  }
0xa: {  	[smem:$0x3FA4] =	sst s2  }
0xb: {  	[smem:$0x3FA5] =	sst s3  }
0xc: {  	[smem:$0x3FA6] =	sst s4  }
0xd: {  	[smem:$0x3FA7] =	sst s5  }
0xe: {  	[smem:$0x3FA8] =	sst s6  }
0xf: {  	[smem:$0x3FA9] =	sst s7  }
0x10: {  	[smem:$0x3FAA] =	sst s8  }
0x11: {  	[smem:$0x3FAB] =	sst s9;
	s0 =	simm.s32 @!p0 $0x0  }
0x12: {  	s1 =	sld [smem:$0x3F91];
	s0 =	simm.s32 @p0 $0x1  }
0x13: {  	[smem:$0x3FAC] =	sst s0;
	s0 =	simm.s32 @!p1 $0x0  }
0x14: {  	s2 =	sld [smem:$0x3F90];
	s0 =	simm.s32 @p1 $0x1  }
0x15: {  	[smem:$0x3FAD] =	sst s0;
	s0 =	simm.s32 @!p2 $0x0  }
0x16: {  	s3 =	sld [smem:$0x3FDB];
	s0 =	simm.s32 @p2 $0x1  }
0x17: {  	s4 =	simm.s32 $0x1BF5;
	[smem:$0x3FAF] =	sst s0  }
0x18: {  	s0 =	sld [smem:$0x3F92];
	_ =	swait.ge [sflag:s4], $0x0  }
0x19: {  	s7 =	sld [smem:$0x3F93]  }
0x1a: {  	s8 =	sadd.s32 $0xFFFFE003, lr  }
0x1b: {  	s9 =	sadd.s32 $0xFFFFFEF7, lr;
	s5 =	simm.s32 $0xFFFFFFFF;
	p2 =	slt.u32 s8, $0xFFFFF086  }
0x1c: {  	p1 =	slt.u32 s9, $0xF7A;
	s5 =	simm.s32 @!p2 $0x0  }
0x1d: {  	s5 =	simm.s32 @p1 $0x1;
	p0 =	seq.s32 s7, s2  }
0x1e: {  	s7 =	smul.u32 @!p0 $0xF7A, s2;
	p2 =	seq.s32 @!p0 s5, $0x0  }
0x1f: {  	s9 =	smul.u32 $0xF7A, s1;
	s8 =	simm.s32 @!p0 $0x1BF5;
	p2 =	por !p2, p0  }
0x20: {  	[sflag:s8] =	ssyncset.s32 @!p0 $0xFFFFF086;
	s6 =	sadd.s32 @!p0 s3, s7;
	s7 =	simm.s32 @!p0 $0x108  }
0x21: {  	s3 =	sadd.s32 s3, s9;
	s6 =	sadd.s32 @!p0 $0x88, s6;
	s7 =	simm.s32 @p2 $0x1082  }
0x22: {  	[simem:s7], [sflag:s8] =	dma.local @!p0 [hbm:s6], $0xF7A  }
0x23: {  	s9 =	sor.u32 $0xD0000000, s2;
	s6 =	simm.s32 $0x108;
	_ =	swait.ge @!p0 [sflag:s8], $0x0  }
0x24: {  	s3 =	sadd.s32 $0x88, s3;
	s6 =	simm.s32 @!p1 $0x1082;
	[sflag:s4] =	ssyncset.s32 $0xFFFFF086  }
0x25: {  	[simem:s6], [sflag:s4] =	dma.local [hbm:s3], $0xF7A  }
0x26: {  	[smem:$0x3F93] =	sst s1;
	(tag) =	ssettag s2;
	_ =	strace s9  }
0x27: {  	s1 =	sld [smem:$0x3FA3]  }
0x28: {  	s2 =	sld [smem:$0x3FA4]  }
0x29: {  	s4 =	sld [smem:$0x3FA6]  }
0x2a: {  	p0 =	seq.s32 s5, $0x0;
	s5 =	sld [smem:$0x3FA7]  }
0x2b: {  	s6 =	sld [smem:$0x3FA8]  }
0x2c: {  	s7 =	sld [smem:$0x3FA9]  }
0x2d: {  	s3 =	simm.s32 $0x108;
	s8 =	sld [smem:$0x3FAA]  }
0x2e: {  	s3 =	simm.s32 @!p0 $0x1082;
	s9 =	sld [smem:$0x3FAB]  }
0x2f: {  	lr =	sadd.s32 s0, s3;
	s0 =	sld [smem:$0x3FA2]  }
0x30: {  	s3 =	sld [smem:$0x3FA5]  }
0x31: {  	[smem:$0x3FAE] =	sst s10  }
0x32: {  	s10 =	sld [smem:$0x3FAC];
	_ =	sdelay $0x3  }
0x33: {  	p0 =	seq.s32 s10, $0x1;
	s10 =	sld [smem:$0x3FAE];
	_ =	sdelay $0x3  }
0x34: {  	[smem:$0x3FAE] =	sst s10  }
0x35: {  	s10 =	sld [smem:$0x3FAD];
	_ =	sdelay $0x3  }
0x36: {  	p1 =	seq.s32 s10, $0x1;
	s10 =	sld [smem:$0x3FAE];
	_ =	sdelay $0x3  }
0x37: {  	[smem:$0x3FAE] =	sst s10  }
0x38: {  	s10 =	sld [smem:$0x3FAF]  }
0x39: {  	_ = 	snop;
	(pc) =	sbr.ind lr, $3  }
0x3a: {  	_ = 	snop  }
0x3b: {  	_ = 	snop  }
0x3c: {  	p2 =	seq.s32 s10, $0x1;
	s10 =	sld [smem:$0x3FAE]  }
0x3d: {  	_ =	shalt  }
0x3e: {  	_ =	shalt  }
0x3f: {  	_ =	shalt  }
0x40: {  	_ =	shalt  }
0x41: {  	_ =	shalt  }
0x42: {  	_ =	shalt  }
0x43: {  	_ =	shalt  }
0x44: {  	_ =	shalt  }
0x45: {  	_ =	shalt  }
0x46: {  	_ =	shalt  }
0x47: {  	_ =	shalt  }
0x48: {  	_ =	shalt  }
0x49: {  	_ =	shalt  }
0x4a: {  	_ =	shalt  }
0x4b: {  	_ =	shalt  }
0x4c: {  	_ =	shalt  }
0x4d: {  	_ =	shalt  }
0x4e: {  	_ =	shalt  }
0x4f: {  	_ =	shalt  }
0x50: {  	_ =	shalt  }
0x51: {  	_ =	shalt  }
0x52: {  	_ =	shalt  }
0x53: {  	_ =	shalt  }
0x54: {  	_ =	shalt  }
0x55: {  	_ =	shalt  }
0x56: {  	_ =	shalt  }
0x57: {  	_ =	shalt  }
0x58: {  	_ =	shalt  }
0x59: {  	_ =	shalt  }
0x5a: {  	_ =	shalt  }
0x5b: {  	_ =	shalt  }
0x5c: {  	_ =	shalt  }
0x5d: {  	_ =	shalt  }
0x5e: {  	_ =	shalt  }
0x5f: {  	_ =	shalt  }
0x60: {  	_ =	shalt  }
0x61: {  	_ =	shalt  }
0x62: {  	_ =	shalt  }
0x63: {  	_ =	shalt  }
0x64: {  	_ =	shalt  }
0x65: {  	_ =	shalt  }
0x66: {  	_ =	shalt  }
0x67: {  	_ =	shalt  }
0x68: {  	_ =	shalt  }
0x69: {  	_ =	shalt  }
0x6a: {  	_ =	shalt  }
0x6b: {  	_ =	shalt  }
0x6c: {  	_ =	shalt  }
0x6d: {  	_ =	shalt  }
0x6e: {  	_ =	shalt  }
0x6f: {  	_ =	shalt  }
0x70: {  	_ =	shalt  }
0x71: {  	_ =	shalt  }
0x72: {  	_ =	shalt  }
0x73: {  	_ =	shalt  }
0x74: {  	_ =	shalt  }
0x75: {  	_ =	shalt  }
0x76: {  	_ =	shalt  }
0x77: {  	_ =	shalt  }
0x78: {  	_ =	shalt  }
0x79: {  	_ =	shalt  }
0x7a: {  	_ =	shalt  }
0x7b: {  	_ =	shalt  }
0x7c: {  	_ =	shalt  }
0x7d: {  	_ =	shalt  }
0x7e: {  	_ =	shalt  }
0x7f: {  	_ =	shalt  }
0x80: {  	_ =	shalt  }
0x81: {  	_ =	shalt  }
0x82: {  	_ =	shalt  }
0x83: {  	_ =	shalt  }
0x84: {  	_ =	shalt  }
0x85: {  	_ =	shalt  }
0x86: {  	_ =	shalt  }
0x87: {  	_ =	shalt  }
.Lfunc_end0:
.L_simem_size_0:
called_computation_lowered:
.L_overlay_start_0:
0x88: {  	s2 =	sld [smem:$0x3FD9]  }
0x89: {  	s3 =	sld [smem:$0x3FFE];
	_ =	sdelay $0x1  }
0x8a: {  	s1 =	srdreg.scid  }
0x8b: {  	s0 =	sand.u32 $0x1, s1  }
0x8c: {  	s17 =	sshll.u32 s0, $0xA;
	s2 =	sadd.s32 s3, s2  }
0x8d: {  	s2 =	sadd.s32 s2, s17  }
0x8e: {  	[smem:$0x3FBA] =	sst s2  }
0x8f: {  	_ = 	snop  }
0x90: {  	s2 =	sld [smem:$0x3FC9]  }
0x91: {  	s18 =	sld [smem:$0x3FC8];
	(tm) =	ssettm $0x1  }
0x92: {  	s4 =	sld [smem:$0x3FFB];
	_ =	sdelay $0x3  }
0x93: {  	_ =	strace s4  }
0x94: {  	s4 =	sld [smem:$0x3FFC];
	_ =	sdelay $0x3  }
0x95: {  	_ =	strace s4  }
0x96: {  	s4 =	sld [smem:$0x3FFD];
	_ =	sdelay $0x3  }
0x97: {  	_ =	strace s4  }
0x98: {  	_ =	strace $0x8FFFFFFF  }
0x99: {  	s19 =	sld [smem:$0x3FDB];
	_ =	sdelay $0x1  }
0x9a: {  	s5 =	simm.s32 $_scs_section_size  }
0x9b: {  	s6 =	simm.s32 $_size__tile_overlayer_lowered;
	s7 =	simm.s32 $_tile_overlayer_lowered  }
0x9c: {  	s22 =	simm.s32 $0x1BFF;
	s21 =	sshll.u32 s7, $0x1;
	s4 =	sadd.s32 s5, s19  }
0x9d: {  	s8 =	simm.s32 $0x0;
	s20 =	sshll.u32 s6, $0x1;
	s6 =	sadd.s32 s21, s4  }
0x9e: {  	[timem:s8], [sflag:s22] =	dma.local [hbm:s6], s20  }
0x9f: {  	_ =	swait.ge [sflag:s22], s20  }
0xa0: {  	s5 =	ssub.s32 $0x0, s20;
	[sflag:s22] =	ssyncset.done $0x0  }
0xa1: {  	[sflag:s22] =	ssyncadd.s32 s5;
	_ =	sdelay $0x1  }
0xa2: {  	s23 =	simm.s32 $0x1B8B  }
0xa3: {  	_ =	swait.ge [sflag:s23], $0x1  }
0xa4: {  	[sflag:s23] =	ssyncset.done $0x0  }
0xa5: {  	s25 =	simm.s32 $0x1B8E;
	s24 =	sld [smem:$0x3FFE];
	[sflag:s23] =	ssyncadd.s32 $0xFFFFFFFF  }
0xa6: {  	s26 =	simm.s32 $execute0_lowered;
	[smem:$0x3FD2] =	sst s25  }
0xa7: {  	s6 =	sshll.u32 s26, $0x1;
	_ =	strace $0x80000046;
	[dreg:$0x1] =	wrdreg $0xFFFFFFFF  }
0xa8: {  	s28 =	simm.s32 $_size_execute0_lowered;
	s4 =	sadd.s32 s4, s6;
	[dreg:$0x0] =	wrdreg $0x0  }
0xa9: {  	s6 =	sshll.u32 s28, $0x1;
	[dreg:$0x2] =	wrdreg s4  }
0xaa: {  	[dreg:$0x3] =	wrdreg s6  }
0xab: {  	[dreg:$0x4] =	wrdreg $0xC0  }
0xac: {  	_ =	task [dreg:s8], $0x5FFFF  }
0xad: {  	[dreg:$0x1] =	wrdreg $0xFFFFFFFF  }
0xae: {  	[dreg:$0x0] =	wrdreg $0x60  }
0xaf: {  	[dreg:$0x2] =	wrdreg s2  }
0xb0: {  	[dreg:$0x3] =	wrdreg s18  }
0xb1: {  	[dreg:$0x4] =	wrdreg s24  }
0xb2: {  	[dreg:$0x5] =	wrdreg $0x9  }
0xb3: {  	_ =	task.clear_ibuf [dreg:s8], $0x6FFFF;
	_ =	strace $0x90000046  }
0xb4: {  	s29 =	simm.s32 $0x9;
	_ =	strace $0x80000048  }
0xb5: {  	_ =	swait.ge [sflag:s29], $0x1  }
0xb6: {  	[sflag:s29] =	ssyncadd.s32 $0xFFFFFFFF  }
0xb7: {  	_ =	strace $0x90000048  }
0xb8: {  	_ =	sfence  }
0xb9: {  	s30 =	sld [smem:$0x0];
	_ =	sdelay $0x2  }
0xba: {  	s31 =	sshll.u32 s1, $0xD;
	s1 =	sshrl.u32 s1, $0x2  }
0xbb: {  	s3 =	sand.u32 $0x4000, s31;
	s1 =	sadd.s32 s1, s30  }
0xbc: {  	s0 =	sor.u32 s3, s0;
	s1 =	sshll.u32 s1, $0x11  }
0xbd: {  	s0 =	sor.u32 s1, s0  }
0xbe: {  	s0 =	sadd.s32 $0x8F2B, s0  }
0xbf: {  	[sflag:s0] =	ssyncadd.remote.s32 $0x1  }
0xc0: {  	_ =	sfence.sel $0xFFFF  }
0xc1: {  	[dreg:$0x0] =	wrdreg $0xFFFFFFFF;
	(pc) =	sbr.abs _section_cstart, $3  }
0xc2: {  	[dreg:$0x1] =	wrdreg $0xFFFFFFFF  }
0xc3: {  	_ =	task.clear_ibuf [dreg:s8], $0x2FFFF;
	_ =	strace $0x9FFFFFFF  }
0xc4: {  	(tm) =	ssettm $0x7FFFFFFF  }
0xc5: {  	_ =	shalt  }
tec
execute0_lowered:
.L_overlay_start_1:
0x0: {  	(tag) =	ssettag $0x1  }
0x1: {  	s1 =	rddreg [dreg:$0x0]  }
0x2: {  	s0 =	rddreg [dreg:$0x1]  }
0x3: {  	s2 =	rddreg [dreg:$0x2];
	s4 =	simm.s32 $0x0  }
0x4: {  	s3 =	stileid.u32;
	[smem:$0x7FF] =	sst s4  }
0x5: {  	s5 =	sshll.u32 s3, $0xE;
	s25 =	sadd.s32 $0x1A00, s2;
	s6 =	sadd.s32 $0xF44000, s2  }
0x6: {  	_ =	strace $0x80000047;
	[dreg:$0x5] =	wrdreg s6;
	s6 =	sadd.s32 s5, s2  }
0x7: {  	[dreg:$0x4] =	wrdreg s25;
	s2 =	sadd.s32 $0x1E86610, s6  }
0x8: {  	s12 =	sadd.s32 $0x1E86620, s6;
	[dreg:$0x11] =	wrdreg s2  }
0x9: {  	s13 =	sadd.s32 $0x1E86630, s6;
	[dreg:$0x12] =	wrdreg s12  }
0xa: {  	s14 =	sadd.s32 $0x1E86640, s6;
	[dreg:$0x13] =	wrdreg s13  }
0xb: {  	s15 =	sadd.s32 $0x1E86650, s6;
	[dreg:$0x14] =	wrdreg s14  }
0xc: {  	s16 =	sadd.s32 $0x1E86660, s6;
	[dreg:$0x15] =	wrdreg s15  }
0xd: {  	s17 =	sadd.s32 $0x1E86670, s6;
	[dreg:$0x16] =	wrdreg s16  }
0xe: {  	s18 =	sadd.s32 $0x1E86680, s6;
	[dreg:$0x17] =	wrdreg s17  }
0xf: {  	s19 =	sadd.s32 $0x1E86690, s6;
	[dreg:$0x18] =	wrdreg s18  }
0x10: {  	s20 =	sadd.s32 $0x1E866A0, s6;
	[dreg:$0x19] =	wrdreg s19  }
0x11: {  	s21 =	sadd.s32 $0x1E866B0, s6;
	[dreg:$0x1a] =	wrdreg s20  }
0x12: {  	s22 =	sadd.s32 $0x1E866C0, s6;
	[dreg:$0x1b] =	wrdreg s21  }
0x13: {  	s23 =	sadd.s32 $0x1E866D0, s6;
	[dreg:$0x1c] =	wrdreg s22  }
0x14: {  	s24 =	sadd.s32 $0x1E866E0, s6;
	[dreg:$0x1d] =	wrdreg s23  }
0x15: {  	s26 =	sadd.s32 $0x1E866F0, s6;
	[dreg:$0x1e] =	wrdreg s24  }
0x16: {  	s28 =	sadd.s32 $0x1E86700, s6;
	[dreg:$0x1f] =	wrdreg s26  }
0x17: {  	s29 =	sadd.s32 $0x1E86710, s6;
	[smem:$0x7CC] =	sst s28  }
0x18: {  	s30 =	sadd.s32 $0x1E86720, s6;
	[smem:$0x7CD] =	sst s29  }
0x19: {  	s31 =	sadd.s32 $0x1E86730, s6;
	[smem:$0x7CE] =	sst s30  }
0x1a: {  	s5 =	sadd.s32 $0x1E86740, s6;
	[smem:$0x7CF] =	sst s31  }
0x1b: {  	s7 =	sadd.s32 $0x1E86750, s6;
	[smem:$0x7D0] =	sst s5  }
0x1c: {  	s9 =	sadd.s32 $0x1E86760, s6;
	[smem:$0x7D1] =	sst s7  }
0x1d: {  	s10 =	sadd.s32 $0x1E86770, s6;
	[smem:$0x7D2] =	sst s9  }
0x1e: {  	s11 =	sadd.s32 $0x1E86780, s6;
	[smem:$0x7D3] =	sst s10  }
0x1f: {  	s8 =	sadd.s32 $0x1E86600, s6;
	[smem:$0x7D4] =	sst s11  }
0x20: {  	s12 =	sadd.s32 $0x1E86790, s6;
	[dreg:$0x6] =	wrdreg s8  }
0x21: {  	s13 =	sadd.s32 $0x1E867A0, s6;
	[smem:$0x7D5] =	sst s12  }
0x22: {  	s14 =	sadd.s32 $0x1E867B0, s6;
	[smem:$0x7D6] =	sst s13  }
0x23: {  	s15 =	sadd.s32 $0x1E867C0, s6;
	[smem:$0x7D7] =	sst s14  }
0x24: {  	s16 =	sadd.s32 $0x1E867D0, s6;
	[smem:$0x7D8] =	sst s15  }
0x25: {  	s17 =	sadd.s32 $0x1E867E0, s6;
	[smem:$0x7D9] =	sst s16  }
0x26: {  	s18 =	sadd.s32 $0x1E867F0, s6;
	[smem:$0x7DA] =	sst s17  }
0x27: {  	s19 =	sadd.s32 $0x1EC6610, s6;
	[smem:$0x7DB] =	sst s18  }
0x28: {  	s20 =	sadd.s32 $0x1EC6620, s6;
	[smem:$0x7DC] =	sst s19  }
0x29: {  	s21 =	sadd.s32 $0x1EC6630, s6;
	[smem:$0x7DD] =	sst s20  }
0x2a: {  	s22 =	sadd.s32 $0x1EC6640, s6;
	[smem:$0x7DE] =	sst s21  }
0x2b: {  	s23 =	sadd.s32 $0x1EC6650, s6;
	[smem:$0x7DF] =	sst s22  }
0x2c: {  	s24 =	sadd.s32 $0x1EC6660, s6;
	[smem:$0x7E0] =	sst s23  }
0x2d: {  	s26 =	sadd.s32 $0x1EC6670, s6;
	[smem:$0x7E1] =	sst s24  }
0x2e: {  	s28 =	sadd.s32 $0x1EC6680, s6;
	[smem:$0x7E2] =	sst s26  }
0x2f: {  	s29 =	sadd.s32 $0x1EC6690, s6;
	[smem:$0x7E3] =	sst s28  }
0x30: {  	s30 =	sadd.s32 $0x1EC66A0, s6;
	[smem:$0x7E4] =	sst s29  }
0x31: {  	s31 =	sadd.s32 $0x1EC66B0, s6;
	[smem:$0x7E5] =	sst s30  }
0x32: {  	s5 =	sadd.s32 $0x1EC66C0, s6;
	[smem:$0x7E6] =	sst s31  }
0x33: {  	s7 =	sadd.s32 $0x1EC66D0, s6;
	[smem:$0x7E7] =	sst s5  }
0x34: {  	s11 =	sadd.s32 $0x1EC66F0, s6;
	[smem:$0x7E8] =	sst s7  }
0x35: {  	s9 =	sadd.s32 $0x1EC6600, s6;
	[smem:$0x7EA] =	sst s11  }
0x36: {  	s5 =	sadd.s32 $0x1EC66E0, s6;
	s12 =	sadd.s32 $0x1EC6700, s6;
	[dreg:$0x7] =	wrdreg s9  }
0x37: {  	s13 =	sadd.s32 $0x1EC6710, s6;
	[smem:$0x7E9] =	sst s5  }
0x38: {  	s7 =	sadd.s32 $0x1EC6720, s6;
	[smem:$0x7EB] =	sst s12  }
0x39: {  	s10 =	srdreg.scid;
	s15 =	sadd.s32 $0x1EC6730, s6;
	[smem:$0x7EC] =	sst s13  }
0x3a: {  	s2 =	sand.u32 $0x1, s10;
	s10 =	sadd.s32 $0x1EC6740, s6;
	[smem:$0x7ED] =	sst s7  }
0x3b: {  	s17 =	sadd.s32 $0x1EC6750, s6;
	[smem:$0x7EE] =	sst s15  }
0x3c: {  	s18 =	sadd.s32 $0x1EC6760, s6;
	[smem:$0x7EF] =	sst s10  }
0x3d: {  	s19 =	sadd.s32 $0x1EC6770, s6;
	[smem:$0x7F0] =	sst s17  }
0x3e: {  	s20 =	sadd.s32 $0x1EC6780, s6;
	[smem:$0x7F1] =	sst s18  }
0x3f: {  	s21 =	sadd.s32 $0x1EC6790, s6;
	[smem:$0x7F2] =	sst s19  }
0x40: {  	s23 =	sadd.s32 $0x1EC67A0, s6;
	[smem:$0x7F3] =	sst s20  }
0x41: {  	s24 =	sadd.s32 $0x1EC67B0, s6;
	[smem:$0x7F4] =	sst s21  }
0x42: {  	s26 =	sadd.s32 $0x1EC67C0, s6;
	[smem:$0x7F5] =	sst s23  }
0x43: {  	s28 =	sadd.s32 $0x1EC67D0, s6;
	[smem:$0x7F6] =	sst s24  }
0x44: {  	s29 =	sadd.s32 $0x1EC67E0, s6;
	[smem:$0x7F8] =	sst s26  }
0x45: {  	s22 =	sshll.u32 s3, $0x7;
	s30 =	sadd.s32 $0x1EC67F0, s6;
	[smem:$0x7F9] =	sst s28  }
.Ltmp0:
0x46: {  	s14 =	ssub.s32 $0x2, s2;
	[smem:$0x7FB] =	sst s29;
	(pc) =	sbr.rel .LBB2_1-.Ltmp0, $4  }
0x47: {  	s1 =	sadd.s32 s1, s22;
	[smem:$0x7FC] =	sst s30;
	s16 =	sshrl.u32 s14, $0x1  }
0x48: {  	s0 =	sadd.s32 s0, s22;
	[smem:$0x7F7] =	sst s1;
	s5 =	ssub.s32 s14, s16  }
0x49: {  	[smem:$0x7FA] =	sst s0;
	s31 =	smax.u32 s5, $0x1  }
0x4a: {  	p0 =	seq.s32 s2, $0x1;
	[smem:$0x7FD] =	sst s31  }
.LBB2_7:
0x4b: {  	_ =	sdelay $0x4  }
0x4c: {  	s1 =	spop (v2sf)  }
0x4d: {  	s3 =	spop (v2sf)  }
0x4e: {  	s4 =	spop (v2sf)  }
0x4f: {  	s11 =	sadd.s32 s25, s11;
	s24 =	spop (v2sf)  }
0x50: {  	[hbm:s2], [sflag:s23] =	dma.local [hbm:s11], $0x10  }
0x51: {  	s31 =	sand.u32 $0x1FFFFFF0, s24;
	s11 =	sadd.s32 s25, s17  }
0x52: {  	s17 =	sadd.s32 s25, s21;
	s21 =	sadd.s32 s25, s5;
	s2 =	sadd.s32 s25, s31  }
0x53: {  	[hbm:s6], [sflag:s23] =	dma.local [hbm:s2], $0x10  }
0x54: {  	s24 =	sand.u32 $0x1FFFFFF0, s22;
	s6 =	sadd.s32 s25, s20;
	s20 =	sadd.s32 s25, s16  }
0x55: {  	[hbm:s8], [sflag:s23] =	dma.local [hbm:s6], $0x10  }
0x56: {  	[hbm:s19], [sflag:s23] =	dma.local [hbm:s11], $0x10  }
0x57: {  	[hbm:s26], [sflag:s23] =	dma.local [hbm:s17], $0x10  }
0x58: {  	s2 =	sadd.s32 s25, s24;
	s19 =	sadd.s32 s25, s18;
	s26 =	sand.u32 $0x1FFFFFF0, s1  }
0x59: {  	[hbm:s28], [sflag:s23] =	dma.local [hbm:s19], $0x10  }
0x5a: {  	[hbm:s14], [sflag:s23] =	dma.local [hbm:s20], $0x10  }
0x5b: {  	[hbm:s12], [sflag:s23] =	dma.local [hbm:s15], $0x10  }
0x5c: {  	[hbm:s9], [sflag:s23] =	dma.local [hbm:s21], $0x10  }
0x5d: {  	[hbm:s7], [sflag:s23] =	dma.local [hbm:s2], $0x10  }
0x5e: {  	[hbm:s0], [sflag:s23] =	dma.local [hbm:s13], $0x10  }
0x5f: {  	s28 =	sand.u32 $0x1FFFFFF0, s3;
	s0 =	sadd.s32 s25, s26  }
0x60: {  	[hbm:s29], [sflag:s23] =	dma.local [hbm:s0], $0x10  }
0x61: {  	s30 =	sand.u32 $0x1FFFFFF0, s4;
	s0 =	sadd.s32 s25, s28;
	s29 =	rddreg [dreg:$0xd]  }
0x62: {  	[hbm:s29], [sflag:s23] =	dma.local [hbm:s0], $0x10  }
0x63: {  	s0 =	sadd.s32 s25, s30;
	s1 =	rddreg [dreg:$0xa]  }
0x64: {  	[hbm:s1], [sflag:s23] =	dma.local [hbm:s0], $0x10  }
0x65: {  	s31 =	simm.s32 $0x1;
	s0 =	rddreg [dreg:$0xb]  }
0x66: {  	[hbm:s0], [sflag:s23] =	dma.local [hbm:s10], $0x10  }
0x67: {  	_ =	swait.ge [sflag:s31], $0x100  }
0x68: {  	[sflag:s31] =	ssyncset.done $0x0;
	s4 =	rddreg [dreg:$0x10]  }
0x69: {  	s1 =	simm.s32 $0x1;
	s25 =	rddreg [dreg:$0x4];
	[sflag:s31] =	ssyncadd.s32 $0xFFFFFF00  }
.LBB2_8:
0x6a: {  	_ =	swait.ge [sflag:s1], $0x100  }
0x6b: {  	[sflag:s1] =	ssyncset.done $0x0  }
0x6c: {  	[sflag:s1] =	ssyncadd.s32 $0xFFFFFF00  }
0x6d: {  	_ =	swait.ge [sflag:s1], $0x100  }
0x6e: {  	s0 =	sld [smem:$0x7FD];
	_ =	sdelay $0x1  }
0x6f: {  	s4 =	sadd.s32 $0x1, s4  }
0x70: {  	p1 =	sne.s32 s4, s0  }
.Ltmp1:
0x71: {  	_ = 	snop;
	(pc) =	sbr.rel @!p1 .LBB2_9-.Ltmp1, $3  }
0x72: {  	_ =	sdelay $0x1  }
0x73: {  	[sflag:s1] =	ssyncset.done $0x0;
	s8 =	rddreg [dreg:$0x6]  }
0x74: {  	s9 =	rddreg [dreg:$0x7];
	[sflag:s1] =	ssyncadd.s32 $0xFFFFFF00  }
.LBB2_1:
.Ltmp2:
0x75: {  	(pc) =	sbr.rel @!p0 .LBB2_2-.Ltmp2, $2  }
0x76: {  	_ =	sdelay $0x2  }
0x77: {  	[dreg:$0x10] =	wrdreg s4;
	s0 =	simm.s32 $0x0  }
0x78: {  	s1 =	sld [smem:$0x7FA];
	_ =	sdelay $0x1  }
0x79: {  	s14 =	simm.s32 $0x2  }
0x7a: {  	[tilespmem:s0], [sflag:$0x2] =	stream.linear.gather [hbm4b:s1+s0], $0x400, $0x38;
	[tilespmem:$0x480] =	vst v63  }
0x7b: {  	_ =	swait.ge [sflag:s14], $0x400  }
0x7c: {  	[sflag:s14] =	ssyncset.done $0x0  }
0x7d: {  	[sflag:s14] =	ssyncadd.s32 $0xFFFFFC00  }
0x7e: {  	v0 =	vld [tilespmem:$0x0];
	_ =	sdelay $0x4  }
0x7f: {  	v0 =	vshll.u32 v0, $0x4  }
0x80: {  	(v2sf) =	vpush v0, $0x0;
	_ =	sdelay $0xe  }
0x81: {  	s16 =	stileid.u32;
	s15 =	spop (v2sf)  }
0x82: {  	s1 =	sshll.u32 s16, $0x6;
	s25 =	rddreg [dreg:$0x5];
	s0 =	sand.u32 $0x1FFFFFF0, s15  }
0x83: {  	s23 =	sor.u32 $0x1C01, s1;
	s0 =	sadd.s32 s25, s0  }
0x84: {  	[hbm:s9], [sflag:s23] =	dma.local [hbm:s0], $0x10  }
0x85: {  	(v2sf) =	vpush v0, $0x1;
	_ =	sdelay $0xe  }
0x86: {  	s17 =	sld [smem:$0x7DC];
	s0 =	spop (v2sf)  }
0x87: {  	s0 =	sand.u32 $0x1FFFFFF0, s0  }
0x88: {  	s0 =	sadd.s32 s25, s0  }
0x89: {  	[hbm:s17], [sflag:s23] =	dma.local [hbm:s0], $0x10  }
0x8a: {  	(v2sf) =	vpush v0, $0x2;
	_ =	sdelay $0xe  }
0x8b: {  	s1 =	sld [smem:$0x7DD];
	s0 =	spop (v2sf)  }
0x8c: {  	s0 =	sand.u32 $0x1FFFFFF0, s0  }
0x8d: {  	s0 =	sadd.s32 s25, s0  }
0x8e: {  	[hbm:s1], [sflag:s23] =	dma.local [hbm:s0], $0x10  }
0x8f: {  	(v2sf) =	vpush v0, $0x3;
	_ =	sdelay $0xe  }
0x90: {  	s1 =	sld [smem:$0x7DE];
	s0 =	spop (v2sf)  }
0x91: {  	s0 =	sand.u32 $0x1FFFFFF0, s0  }
0x92: {  	s0 =	sadd.s32 s25, s0  }
0x93: {  	[hbm:s1], [sflag:s23] =	dma.local [hbm:s0], $0x10  }
0x94: {  	(v2sf) =	vpush v0, $0x4;
	_ =	sdelay $0xe  }
0x95: {  	s1 =	sld [smem:$0x7DF];
	s0 =	spop (v2sf)  }
0x96: {  	s0 =	sand.u32 $0x1FFFFFF0, s0  }
0x97: {  	s0 =	sadd.s32 s25, s0  }
0x98: {  	[hbm:s1], [sflag:s23] =	dma.local [hbm:s0], $0x10  }
0x99: {  	(v2sf) =	vpush v0, $0x5;
	_ =	sdelay $0xe  }
0x9a: {  	s1 =	sld [smem:$0x7E0];
	s0 =	spop (v2sf)  }
0x9b: {  	s0 =	sand.u32 $0x1FFFFFF0, s0  }
0x9c: {  	s0 =	sadd.s32 s25, s0  }
0x9d: {  	[hbm:s1], [sflag:s23] =	dma.local [hbm:s0], $0x10  }
0x9e: {  	(v2sf) =	vpush v0, $0x6;
	_ =	sdelay $0xe  }
0x9f: {  	s1 =	sld [smem:$0x7E1];
	s0 =	spop (v2sf)  }
0xa0: {  	s0 =	sand.u32 $0x1FFFFFF0, s0  }
0xa1: {  	s0 =	sadd.s32 s25, s0  }
0xa2: {  	[hbm:s1], [sflag:s23] =	dma.local [hbm:s0], $0x10  }
0xa3: {  	(v2sf) =	vpush v0, $0x7;
	_ =	sdelay $0xe  }
0xa4: {  	s1 =	sld [smem:$0x7E2];
	s0 =	spop (v2sf)  }
0xa5: {  	s0 =	sand.u32 $0x1FFFFFF0, s0  }
0xa6: {  	s0 =	sadd.s32 s25, s0  }
0xa7: {  	[hbm:s1], [sflag:s23] =	dma.local [hbm:s0], $0x10  }
0xa8: {  	(v2sf) =	vpush v0, $0x8;
	_ =	sdelay $0xe  }
0xa9: {  	s1 =	sld [smem:$0x7E3];
	s0 =	spop (v2sf)  }
0xaa: {  	s0 =	sand.u32 $0x1FFFFFF0, s0  }
0xab: {  	s0 =	sadd.s32 s25, s0  }
0xac: {  	[hbm:s1], [sflag:s23] =	dma.local [hbm:s0], $0x10  }
0xad: {  	(v2sf) =	vpush v0, $0x9;
	_ =	sdelay $0xe  }
0xae: {  	s1 =	sld [smem:$0x7E4];
	s0 =	spop (v2sf)  }
0xaf: {  	s0 =	sand.u32 $0x1FFFFFF0, s0  }
0xb0: {  	s0 =	sadd.s32 s25, s0  }
0xb1: {  	[hbm:s1], [sflag:s23] =	dma.local [hbm:s0], $0x10  }
0xb2: {  	(v2sf) =	vpush v0, $0xA;
	_ =	sdelay $0xe  }
0xb3: {  	s1 =	sld [smem:$0x7E5];
	s0 =	spop (v2sf)  }
0xb4: {  	s0 =	sand.u32 $0x1FFFFFF0, s0  }
0xb5: {  	s0 =	sadd.s32 s25, s0  }
0xb6: {  	[hbm:s1], [sflag:s23] =	dma.local [hbm:s0], $0x10  }
0xb7: {  	(v2sf) =	vpush v0, $0xB;
	_ =	sdelay $0xe  }
0xb8: {  	s1 =	sld [smem:$0x7E6];
	s0 =	spop (v2sf)  }
0xb9: {  	s0 =	sand.u32 $0x1FFFFFF0, s0  }
0xba: {  	s0 =	sadd.s32 s25, s0  }
0xbb: {  	[hbm:s1], [sflag:s23] =	dma.local [hbm:s0], $0x10  }
0xbc: {  	(v2sf) =	vpush v0, $0xC;
	_ =	sdelay $0xe  }
0xbd: {  	s1 =	sld [smem:$0x7E7];
	s0 =	spop (v2sf)  }
0xbe: {  	s0 =	sand.u32 $0x1FFFFFF0, s0  }
0xbf: {  	s0 =	sadd.s32 s25, s0  }
0xc0: {  	[hbm:s1], [sflag:s23] =	dma.local [hbm:s0], $0x10  }
0xc1: {  	(v2sf) =	vpush v0, $0xD;
	_ =	sdelay $0xe  }
0xc2: {  	s1 =	sld [smem:$0x7E8];
	s0 =	spop (v2sf)  }
0xc3: {  	s0 =	sand.u32 $0x1FFFFFF0, s0  }
0xc4: {  	s0 =	sadd.s32 s25, s0  }
0xc5: {  	[hbm:s1], [sflag:s23] =	dma.local [hbm:s0], $0x10  }
0xc6: {  	(v2sf) =	vpush v0, $0xE;
	_ =	sdelay $0xe  }
0xc7: {  	s1 =	sld [smem:$0x7E9];
	s0 =	spop (v2sf)  }
0xc8: {  	s0 =	sand.u32 $0x1FFFFFF0, s0  }
0xc9: {  	s0 =	sadd.s32 s25, s0  }
0xca: {  	[hbm:s1], [sflag:s23] =	dma.local [hbm:s0], $0x10  }
0xcb: {  	(v2sf) =	vpush v0, $0xF;
	_ =	sdelay $0xe  }
0xcc: {  	s1 =	sld [smem:$0x7EA];
	s0 =	spop (v2sf)  }
0xcd: {  	s0 =	sand.u32 $0x1FFFFFF0, s0  }
0xce: {  	s0 =	sadd.s32 s25, s0  }
0xcf: {  	[hbm:s1], [sflag:s23] =	dma.local [hbm:s0], $0x10  }
0xd0: {  	v62 =	vld [tilespmem:$0x10];
	_ =	sdelay $0x4  }
0xd1: {  	v0 =	vshll.u32 v62, $0x4  }
0xd2: {  	(v2sf) =	vpush v0, $0x0;
	_ =	sdelay $0xe  }
0xd3: {  	s1 =	sld [smem:$0x7EB];
	s0 =	spop (v2sf)  }
0xd4: {  	s0 =	sand.u32 $0x1FFFFFF0, s0  }
0xd5: {  	s0 =	sadd.s32 s25, s0  }
0xd6: {  	[hbm:s1], [sflag:s23] =	dma.local [hbm:s0], $0x10  }
0xd7: {  	(v2sf) =	vpush v0, $0x1;
	_ =	sdelay $0xe  }
0xd8: {  	s1 =	sld [smem:$0x7EC];
	s0 =	spop (v2sf)  }
0xd9: {  	s0 =	sand.u32 $0x1FFFFFF0, s0  }
0xda: {  	s0 =	sadd.s32 s25, s0  }
0xdb: {  	[hbm:s1], [sflag:s23] =	dma.local [hbm:s0], $0x10  }
0xdc: {  	(v2sf) =	vpush v0, $0x2;
	_ =	sdelay $0xe  }
0xdd: {  	s1 =	sld [smem:$0x7ED];
	s0 =	spop (v2sf)  }
0xde: {  	s0 =	sand.u32 $0x1FFFFFF0, s0  }
0xdf: {  	s0 =	sadd.s32 s25, s0  }
0xe0: {  	[hbm:s1], [sflag:s23] =	dma.local [hbm:s0], $0x10  }
0xe1: {  	(v2sf) =	vpush v0, $0x3;
	_ =	sdelay $0xe  }
0xe2: {  	s1 =	sld [smem:$0x7EE];
	s0 =	spop (v2sf)  }
0xe3: {  	s0 =	sand.u32 $0x1FFFFFF0, s0  }
0xe4: {  	s0 =	sadd.s32 s25, s0  }
0xe5: {  	[hbm:s1], [sflag:s23] =	dma.local [hbm:s0], $0x10  }
0xe6: {  	(v2sf) =	vpush v0, $0x4;
	_ =	sdelay $0xe  }
0xe7: {  	s1 =	sld [smem:$0x7EF];
	s0 =	spop (v2sf)  }
0xe8: {  	s0 =	sand.u32 $0x1FFFFFF0, s0  }
0xe9: {  	s0 =	sadd.s32 s25, s0  }
0xea: {  	[hbm:s1], [sflag:s23] =	dma.local [hbm:s0], $0x10  }
0xeb: {  	(v2sf) =	vpush v0, $0x5;
	_ =	sdelay $0xe  }
0xec: {  	s1 =	sld [smem:$0x7F0];
	s0 =	spop (v2sf)  }
0xed: {  	s0 =	sand.u32 $0x1FFFFFF0, s0  }
0xee: {  	s0 =	sadd.s32 s25, s0  }
0xef: {  	[hbm:s1], [sflag:s23] =	dma.local [hbm:s0], $0x10  }
0xf0: {  	(v2sf) =	vpush v0, $0x6;
	_ =	sdelay $0xe  }
0xf1: {  	s1 =	sld [smem:$0x7F1];
	s0 =	spop (v2sf)  }
0xf2: {  	s0 =	sand.u32 $0x1FFFFFF0, s0  }
0xf3: {  	s0 =	sadd.s32 s25, s0  }
0xf4: {  	[hbm:s1], [sflag:s23] =	dma.local [hbm:s0], $0x10  }
0xf5: {  	(v2sf) =	vpush v0, $0x7;
	_ =	sdelay $0xe  }
0xf6: {  	s1 =	sld [smem:$0x7F2];
	s0 =	spop (v2sf)  }
0xf7: {  	s0 =	sand.u32 $0x1FFFFFF0, s0  }
0xf8: {  	s0 =	sadd.s32 s25, s0  }
0xf9: {  	[hbm:s1], [sflag:s23] =	dma.local [hbm:s0], $0x10  }
0xfa: {  	(v2sf) =	vpush v0, $0x8;
	_ =	sdelay $0xe  }
0xfb: {  	s1 =	sld [smem:$0x7F3];
	s0 =	spop (v2sf)  }
0xfc: {  	s0 =	sand.u32 $0x1FFFFFF0, s0  }
0xfd: {  	s0 =	sadd.s32 s25, s0  }
0xfe: {  	[hbm:s1], [sflag:s23] =	dma.local [hbm:s0], $0x10  }
0xff: {  	(v2sf) =	vpush v0, $0x9;
	_ =	sdelay $0xe  }
0x100: {  	s1 =	sld [smem:$0x7F4];
	s0 =	spop (v2sf)  }
0x101: {  	s0 =	sand.u32 $0x1FFFFFF0, s0  }
0x102: {  	s0 =	sadd.s32 s25, s0  }
0x103: {  	[hbm:s1], [sflag:s23] =	dma.local [hbm:s0], $0x10  }
0x104: {  	(v2sf) =	vpush v0, $0xA;
	_ =	sdelay $0xe  }
0x105: {  	s1 =	sld [smem:$0x7F5];
	s0 =	spop (v2sf)  }
0x106: {  	s0 =	sand.u32 $0x1FFFFFF0, s0  }
0x107: {  	s0 =	sadd.s32 s25, s0  }
0x108: {  	[hbm:s1], [sflag:s23] =	dma.local [hbm:s0], $0x10  }
0x109: {  	(v2sf) =	vpush v0, $0xB;
	_ =	sdelay $0xe  }
0x10a: {  	s1 =	sld [smem:$0x7F6];
	s0 =	spop (v2sf)  }
0x10b: {  	s0 =	sand.u32 $0x1FFFFFF0, s0  }
0x10c: {  	s0 =	sadd.s32 s25, s0  }
0x10d: {  	[hbm:s1], [sflag:s23] =	dma.local [hbm:s0], $0x10  }
0x10e: {  	(v2sf) =	vpush v0, $0xC;
	_ =	sdelay $0xe  }
0x10f: {  	s1 =	sld [smem:$0x7F8];
	s0 =	spop (v2sf)  }
0x110: {  	s0 =	sand.u32 $0x1FFFFFF0, s0  }
0x111: {  	s0 =	sadd.s32 s25, s0  }
0x112: {  	[hbm:s1], [sflag:s23] =	dma.local [hbm:s0], $0x10  }
0x113: {  	(v2sf) =	vpush v0, $0xD;
	_ =	sdelay $0xe  }
0x114: {  	s1 =	sld [smem:$0x7F9];
	s0 =	spop (v2sf)  }
0x115: {  	s0 =	sand.u32 $0x1FFFFFF0, s0  }
0x116: {  	s0 =	sadd.s32 s25, s0  }
0x117: {  	[hbm:s1], [sflag:s23] =	dma.local [hbm:s0], $0x10  }
0x118: {  	(v2sf) =	vpush v0, $0xE;
	_ =	sdelay $0xe  }
0x119: {  	s1 =	sld [smem:$0x7FB];
	s0 =	spop (v2sf)  }
0x11a: {  	s0 =	sand.u32 $0x1FFFFFF0, s0  }
0x11b: {  	s0 =	sadd.s32 s25, s0  }
0x11c: {  	[hbm:s1], [sflag:s23] =	dma.local [hbm:s0], $0x10  }
0x11d: {  	(v2sf) =	vpush v0, $0xF;
	_ =	sdelay $0xe  }
0x11e: {  	s1 =	sld [smem:$0x7FC];
	s0 =	spop (v2sf)  }
0x11f: {  	s0 =	sand.u32 $0x1FFFFFF0, s0  }
0x120: {  	s18 =	simm.s32 $0x20;
	s0 =	sadd.s32 s25, s0  }
0x121: {  	[hbm:s1], [sflag:s23] =	dma.local [hbm:s0], $0x10  }
0x122: {  	v63 =	vld [tilespmem:s18+$0x0];
	_ =	sdelay $0x4  }
0x123: {  	v0 =	vshll.u32 v63, $0x4  }
0x124: {  	(v2sf) =	vpush v0, $0x8  }
0x125: {  	(v2sf) =	vpush v0, $0xF  }
0x126: {  	(v2sf) =	vpush v0, $0xB  }
0x127: {  	(v2sf) =	vpush v0, $0x7  }
0x128: {  	(v2sf) =	vpush v0, $0x6  }
0x129: {  	(v2sf) =	vpush v0, $0x5  }
0x12a: {  	(v2sf) =	vpush v0, $0x4  }
0x12b: {  	(v2sf) =	vpush v0, $0x3  }
0x12c: {  	(v2sf) =	vpush v0, $0x1  }
0x12d: {  	(v2sf) =	vpush v0, $0x0;
	_ =	sdelay $0x1  }
0x12e: {  	(v2sf) =	vpush v0, $0x9  }
0x12f: {  	s3 =	sadd.s32 $0x0, s9;
	(v2sf) =	vpush v0, $0xA  }
0x130: {  	s26 =	sadd.s32 $0x250, s3;
	s28 =	sadd.s32 $0x260, s3;
	s6 =	sadd.s32 $0x220, s3  }
0x131: {  	s10 =	sadd.s32 $0x200, s3;
	s8 =	sadd.s32 $0x230, s3;
	s20 =	sadd.s32 $0x2E0, s3  }
0x132: {  	s21 =	sadd.s32 $0x2F0, s3;
	s29 =	sadd.s32 $0x2C0, s3;
	s19 =	spop (v2sf)  }
0x133: {  	s22 =	sadd.s32 $0x2D0, s3;
	s7 =	sadd.s32 $0x2A0, s3;
	s2 =	spop (v2sf)  }
0x134: {  	s14 =	sadd.s32 $0x270, s3;
	[dreg:$0xa] =	wrdreg s20;
	s4 =	spop (v2sf)  }
0x135: {  	s9 =	sadd.s32 $0x290, s3;
	[dreg:$0xb] =	wrdreg s21;
	s5 =	spop (v2sf)  }
0x136: {  	[dreg:$0xd] =	wrdreg s22;
	s0 =	sadd.s32 $0x2B0, s3;
	s11 =	spop (v2sf)  }
0x137: {  	(v2sf) =	vpush v0, $0xC;
	s19 =	sand.u32 $0x1FFFFFF0, s19;
	s2 =	sand.u32 $0x1FFFFFF0, s2;
	s13 =	spop (v2sf)  }
0x138: {  	(v2sf) =	vpush v0, $0xD;
	s4 =	sand.u32 $0x1FFFFFF0, s4;
	s16 =	sand.u32 $0x1FFFFFF0, s5;
	s15 =	spop (v2sf)  }
0x139: {  	(v2sf) =	vpush v0, $0xE;
	s18 =	sand.u32 $0x1FFFFFF0, s11;
	s21 =	sand.u32 $0x1FFFFFF0, s13;
	s20 =	spop (v2sf)  }
0x13a: {  	(v2sf) =	vpush v0, $0x2;
	s13 =	sadd.s32 s25, s4;
	s17 =	sand.u32 $0x1FFFFFF0, s15;
	s30 =	spop (v2sf)  }
0x13b: {  	s15 =	sadd.s32 s25, s19;
	s19 =	sadd.s32 $0x240, s3;
	s12 =	spop (v2sf)  }
0x13c: {  	s20 =	sand.u32 $0x1FFFFFF0, s20;
	s11 =	sand.u32 $0x1FFFFFF0, s30;
	s12 =	sand.u32 $0x1FFFFFF0, s12  }
0x13d: {  	s30 =	simm.s32 $0x100;
	s31 =	spop (v2sf);
	s24 =	sadd.s32 s25, s12  }
0x13e: {  	s22 =	spop (v2sf);
	s12 =	sadd.s32 $0x280, s3;
	s5 =	sand.u32 $0x1FFFFFF0, s31  }
0x13f: {  	[hbm:s10], [sflag:s23] =	dma.local [hbm:s24], $0x10  }
0x140: {  	s31 =	simm.s32 $0x30;
	s10 =	sadd.s32 s25, s2;
	s2 =	sadd.s32 $0x210, s3  }
.LBB2_6:
0x141: {  	_ =	sdelay $0x4  }
0x142: {  	s3 =	sadd.s32 s25, s16;
	s4 =	sand.u32 $0x1FFFFFF0, s22;
	s16 =	spop (v2sf)  }
0x143: {  	s1 =	smov.u32 s30;
	s18 =	sadd.s32 s25, s18;
	s24 =	spop (v2sf)  }
0x144: {  	[dreg:$0xf] =	wrdreg s1;
	s1 =	sand.u32 $0x1FFFFFF0, s24;
	s24 =	spop (v2sf)  }
0x145: {  	s21 =	sadd.s32 s25, s21;
	s22 =	sand.u32 $0x1FFFFFF0, s16;
	s16 =	spop (v2sf)  }
0x146: {  	s22 =	sadd.s32 s25, s22;
	s25 =	sand.u32 $0x1FFFFFF0, s16;
	s16 =	rddreg [dreg:$0x5]  }
0x147: {  	s24 =	sand.u32 $0x1FFFFFF0, s24;
	s1 =	sadd.s32 s16, s1;
	s16 =	rddreg [dreg:$0x5]  }
0x148: {  	s24 =	sadd.s32 s16, s24;
	s16 =	rddreg [dreg:$0x5]  }
0x149: {  	s25 =	sadd.s32 s16, s25;
	s16 =	rddreg [dreg:$0x5]  }
0x14a: {  	s5 =	sadd.s32 s16, s5;
	s16 =	rddreg [dreg:$0x5]  }
0x14b: {  	s4 =	sadd.s32 s16, s4;
	s16 =	rddreg [dreg:$0x5]  }
0x14c: {  	s11 =	sadd.s32 s16, s11;
	s16 =	rddreg [dreg:$0x5]  }
0x14d: {  	s20 =	sadd.s32 s16, s20;
	s16 =	rddreg [dreg:$0x5]  }
0x14e: {  	[hbm:s2], [sflag:s23] =	dma.local [hbm:s11], $0x10  }
0x14f: {  	[hbm:s6], [sflag:s23] =	dma.local [hbm:s25], $0x10  }
0x150: {  	s17 =	sadd.s32 s16, s17;
	s25 =	rddreg [dreg:$0x5]  }
0x151: {  	[hbm:s8], [sflag:s23] =	dma.local [hbm:s20], $0x10  }
0x152: {  	[hbm:s19], [sflag:s23] =	dma.local [hbm:s17], $0x10  }
0x153: {  	[hbm:s26], [sflag:s23] =	dma.local [hbm:s21], $0x10  }
0x154: {  	[hbm:s28], [sflag:s23] =	dma.local [hbm:s18], $0x10  }
0x155: {  	[hbm:s14], [sflag:s23] =	dma.local [hbm:s3], $0x10  }
0x156: {  	[hbm:s12], [sflag:s23] =	dma.local [hbm:s15], $0x10  }
0x157: {  	[hbm:s9], [sflag:s23] =	dma.local [hbm:s5], $0x10  }
0x158: {  	[hbm:s7], [sflag:s23] =	dma.local [hbm:s4], $0x10  }
0x159: {  	[hbm:s0], [sflag:s23] =	dma.local [hbm:s13], $0x10  }
0x15a: {  	[hbm:s29], [sflag:s23] =	dma.local [hbm:s22], $0x10  }
0x15b: {  	s8 =	rddreg [dreg:$0xd]  }
0x15c: {  	[hbm:s8], [sflag:s23] =	dma.local [hbm:s1], $0x10  }
0x15d: {  	s0 =	rddreg [dreg:$0xa]  }
0x15e: {  	[hbm:s0], [sflag:s23] =	dma.local [hbm:s24], $0x10  }
0x15f: {  	s9 =	simm.s32 $0x1;
	s0 =	rddreg [dreg:$0xb]  }
0x160: {  	[hbm:s0], [sflag:s23] =	dma.local [hbm:s10], $0x10  }
0x161: {  	_ =	swait.ge [sflag:s9], $0x100  }
0x162: {  	[sflag:s9] =	ssyncset.done $0x0  }
0x163: {  	[sflag:s9] =	ssyncadd.s32 $0xFFFFFF00  }
0x164: {  	v0 =	vld [tilespmem:s31+$0x0];
	_ =	sdelay $0x4  }
0x165: {  	v0 =	vshll.u32 v0, $0x4  }
0x166: {  	(v2sf) =	vpush v0, $0x8  }
0x167: {  	(v2sf) =	vpush v0, $0xF  }
0x168: {  	(v2sf) =	vpush v0, $0xB  }
0x169: {  	(v2sf) =	vpush v0, $0x7  }
0x16a: {  	(v2sf) =	vpush v0, $0x6  }
0x16b: {  	(v2sf) =	vpush v0, $0x5  }
0x16c: {  	(v2sf) =	vpush v0, $0x4  }
0x16d: {  	(v2sf) =	vpush v0, $0x3  }
0x16e: {  	s10 =	rddreg [dreg:$0x7];
	(v2sf) =	vpush v0, $0x1  }
0x16f: {  	s11 =	rddreg [dreg:$0xf];
	(v2sf) =	vpush v0, $0x0  }
0x170: {  	p1 =	sne.s32 s30, $0x3D00;
	s30 =	sadd.s32 $0x100, s30;
	s19 =	sadd.s32 s11, s10;
	(v2sf) =	vpush v0, $0x9  }
0x171: {  	s26 =	sadd.s32 $0x250, s19;
	s28 =	sadd.s32 $0x260, s19;
	s6 =	sadd.s32 $0x220, s19;
	(v2sf) =	vpush v0, $0xA  }
0x172: {  	s1 =	sadd.s32 $0x200, s19;
	s31 =	sadd.s32 $0x10, s31;
	s8 =	sadd.s32 $0x230, s19  }
0x173: {  	s0 =	sadd.s32 $0x2E0, s19;
	s12 =	sadd.s32 $0x2F0, s19;
	s29 =	sadd.s32 $0x2C0, s19  }
0x174: {  	s13 =	sadd.s32 $0x2D0, s19;
	s7 =	sadd.s32 $0x2A0, s19;
	[dreg:$0xa] =	wrdreg s0  }
0x175: {  	s9 =	sadd.s32 $0x290, s19;
	[dreg:$0xb] =	wrdreg s12;
	s14 =	spop (v2sf)  }
0x176: {  	s2 =	sadd.s32 $0x210, s19;
	[dreg:$0xd] =	wrdreg s13;
	s17 =	spop (v2sf)  }
0x177: {  	s0 =	sadd.s32 $0x2B0, s19;
	s12 =	sadd.s32 $0x280, s19;
	s18 =	spop (v2sf)  }
0x178: {  	s15 =	sand.u32 $0x1FFFFFF0, s14;
	s14 =	sadd.s32 $0x270, s19;
	s20 =	spop (v2sf)  }
0x179: {  	s19 =	sadd.s32 $0x240, s19;
	s3 =	sand.u32 $0x1FFFFFF0, s17;
	s21 =	spop (v2sf)  }
0x17a: {  	s15 =	sadd.s32 s25, s15;
	s4 =	sand.u32 $0x1FFFFFF0, s18;
	s22 =	spop (v2sf)  }
0x17b: {  	s10 =	sadd.s32 s25, s3;
	s16 =	sand.u32 $0x1FFFFFF0, s20;
	s24 =	spop (v2sf)  }
0x17c: {  	s13 =	sadd.s32 s25, s4;
	s18 =	sand.u32 $0x1FFFFFF0, s21;
	s5 =	spop (v2sf)  }
.Ltmp3:
0x17d: {  	(v2sf) =	vpush v0, $0xC;
	s21 =	sand.u32 $0x1FFFFFF0, s22;
	s11 =	spop (v2sf);
	(pc) =	sbr.rel @p1 .LBB2_6-.Ltmp3, $4  }
0x17e: {  	(v2sf) =	vpush v0, $0xD;
	s17 =	sand.u32 $0x1FFFFFF0, s24;
	s20 =	sand.u32 $0x1FFFFFF0, s5;
	s22 =	spop (v2sf)  }
0x17f: {  	(v2sf) =	vpush v0, $0xE;
	s11 =	sand.u32 $0x1FFFFFF0, s11;
	s3 =	sand.u32 $0x1FFFFFF0, s22;
	s24 =	spop (v2sf)  }
0x180: {  	(v2sf) =	vpush v0, $0x2;
	s3 =	sadd.s32 s25, s3;
	s5 =	sand.u32 $0x1FFFFFF0, s24;
	s22 =	spop (v2sf)  }
0x181: {  	[hbm:s1], [sflag:s23] =	dma.local [hbm:s3], $0x10  }
.Ltmp4:
0x182: {  	_ = 	snop;
	(pc) =	sbr.rel .LBB2_7-.Ltmp4, $1  }
0x183: {  	_ =	sdelay $0x3  }
.LBB2_2:
0x184: {  	s1 =	sld [smem:$0x7F7];
	_ =	sdelay $0x1  }
0x185: {  	s14 =	simm.s32 $0x2  }
0x186: {  	[tilespmem:s0], [sflag:$0x2] =	stream.linear.gather [hbm4b:s1+s0], $0x400, $0x38;
	[tilespmem:$0x480] =	vst v63  }
0x187: {  	_ =	swait.ge [sflag:s14], $0x400  }
0x188: {  	[sflag:s14] =	ssyncset.done $0x0  }
0x189: {  	[sflag:s14] =	ssyncadd.s32 $0xFFFFFC00  }
0x18a: {  	v0 =	vld [tilespmem:$0x0];
	_ =	sdelay $0x4  }
0x18b: {  	v0 =	vshll.u32 v0, $0x4  }
0x18c: {  	(v2sf) =	vpush v0, $0x0;
	_ =	sdelay $0xe  }
0x18d: {  	s16 =	stileid.u32;
	s15 =	spop (v2sf)  }
0x18e: {  	s1 =	sshll.u32 s16, $0x6;
	s0 =	sand.u32 $0x1FFFFFF0, s15  }
0x18f: {  	s23 =	sor.u32 $0x1C01, s1;
	s0 =	sadd.s32 s25, s0  }
0x190: {  	[hbm:s8], [sflag:s23] =	dma.local [hbm:s0], $0x10  }
0x191: {  	(v2sf) =	vpush v0, $0x1;
	_ =	sdelay $0xe  }
0x192: {  	s0 =	spop (v2sf)  }
0x193: {  	s0 =	sand.u32 $0x1FFFFFF0, s0  }
0x194: {  	s17 =	rddreg [dreg:$0x11];
	s0 =	sadd.s32 s25, s0  }
0x195: {  	[hbm:s17], [sflag:s23] =	dma.local [hbm:s0], $0x10  }
0x196: {  	(v2sf) =	vpush v0, $0x2;
	_ =	sdelay $0xe  }
0x197: {  	s0 =	spop (v2sf)  }
0x198: {  	s0 =	sand.u32 $0x1FFFFFF0, s0  }
0x199: {  	s1 =	rddreg [dreg:$0x12];
	s0 =	sadd.s32 s25, s0  }
0x19a: {  	[hbm:s1], [sflag:s23] =	dma.local [hbm:s0], $0x10  }
0x19b: {  	(v2sf) =	vpush v0, $0x3;
	_ =	sdelay $0xe  }
0x19c: {  	s0 =	spop (v2sf)  }
0x19d: {  	s0 =	sand.u32 $0x1FFFFFF0, s0  }
0x19e: {  	s1 =	rddreg [dreg:$0x13];
	s0 =	sadd.s32 s25, s0  }
0x19f: {  	[hbm:s1], [sflag:s23] =	dma.local [hbm:s0], $0x10  }
0x1a0: {  	(v2sf) =	vpush v0, $0x4;
	_ =	sdelay $0xe  }
0x1a1: {  	s0 =	spop (v2sf)  }
0x1a2: {  	s0 =	sand.u32 $0x1FFFFFF0, s0  }
0x1a3: {  	s1 =	rddreg [dreg:$0x14];
	s0 =	sadd.s32 s25, s0  }
0x1a4: {  	[hbm:s1], [sflag:s23] =	dma.local [hbm:s0], $0x10  }
0x1a5: {  	(v2sf) =	vpush v0, $0x5;
	_ =	sdelay $0xe  }
0x1a6: {  	s0 =	spop (v2sf)  }
0x1a7: {  	s0 =	sand.u32 $0x1FFFFFF0, s0  }
0x1a8: {  	s1 =	rddreg [dreg:$0x15];
	s0 =	sadd.s32 s25, s0  }
0x1a9: {  	[hbm:s1], [sflag:s23] =	dma.local [hbm:s0], $0x10  }
0x1aa: {  	(v2sf) =	vpush v0, $0x6;
	_ =	sdelay $0xe  }
0x1ab: {  	s0 =	spop (v2sf)  }
0x1ac: {  	s0 =	sand.u32 $0x1FFFFFF0, s0  }
0x1ad: {  	s1 =	rddreg [dreg:$0x16];
	s0 =	sadd.s32 s25, s0  }
0x1ae: {  	[hbm:s1], [sflag:s23] =	dma.local [hbm:s0], $0x10  }
0x1af: {  	(v2sf) =	vpush v0, $0x7;
	_ =	sdelay $0xe  }
0x1b0: {  	s0 =	spop (v2sf)  }
0x1b1: {  	s0 =	sand.u32 $0x1FFFFFF0, s0  }
0x1b2: {  	s1 =	rddreg [dreg:$0x17];
	s0 =	sadd.s32 s25, s0  }
0x1b3: {  	[hbm:s1], [sflag:s23] =	dma.local [hbm:s0], $0x10  }
0x1b4: {  	(v2sf) =	vpush v0, $0x8;
	_ =	sdelay $0xe  }
0x1b5: {  	s0 =	spop (v2sf)  }
0x1b6: {  	s0 =	sand.u32 $0x1FFFFFF0, s0  }
0x1b7: {  	s1 =	rddreg [dreg:$0x18];
	s0 =	sadd.s32 s25, s0  }
0x1b8: {  	[hbm:s1], [sflag:s23] =	dma.local [hbm:s0], $0x10  }
0x1b9: {  	(v2sf) =	vpush v0, $0x9;
	_ =	sdelay $0xe  }
0x1ba: {  	s0 =	spop (v2sf)  }
0x1bb: {  	s0 =	sand.u32 $0x1FFFFFF0, s0  }
0x1bc: {  	s1 =	rddreg [dreg:$0x19];
	s0 =	sadd.s32 s25, s0  }
0x1bd: {  	[hbm:s1], [sflag:s23] =	dma.local [hbm:s0], $0x10  }
0x1be: {  	(v2sf) =	vpush v0, $0xA;
	_ =	sdelay $0xe  }
0x1bf: {  	s0 =	spop (v2sf)  }
0x1c0: {  	s0 =	sand.u32 $0x1FFFFFF0, s0  }
0x1c1: {  	s1 =	rddreg [dreg:$0x1a];
	s0 =	sadd.s32 s25, s0  }
0x1c2: {  	[hbm:s1], [sflag:s23] =	dma.local [hbm:s0], $0x10  }
0x1c3: {  	(v2sf) =	vpush v0, $0xB;
	_ =	sdelay $0xe  }
0x1c4: {  	s0 =	spop (v2sf)  }
0x1c5: {  	s0 =	sand.u32 $0x1FFFFFF0, s0  }
0x1c6: {  	s1 =	rddreg [dreg:$0x1b];
	s0 =	sadd.s32 s25, s0  }
0x1c7: {  	[hbm:s1], [sflag:s23] =	dma.local [hbm:s0], $0x10  }
0x1c8: {  	(v2sf) =	vpush v0, $0xC;
	_ =	sdelay $0xe  }
0x1c9: {  	s0 =	spop (v2sf)  }
0x1ca: {  	s0 =	sand.u32 $0x1FFFFFF0, s0  }
0x1cb: {  	s1 =	rddreg [dreg:$0x1c];
	s0 =	sadd.s32 s25, s0  }
0x1cc: {  	[hbm:s1], [sflag:s23] =	dma.local [hbm:s0], $0x10  }
0x1cd: {  	(v2sf) =	vpush v0, $0xD;
	_ =	sdelay $0xe  }
0x1ce: {  	s0 =	spop (v2sf)  }
0x1cf: {  	s0 =	sand.u32 $0x1FFFFFF0, s0  }
0x1d0: {  	s1 =	rddreg [dreg:$0x1d];
	s0 =	sadd.s32 s25, s0  }
0x1d1: {  	[hbm:s1], [sflag:s23] =	dma.local [hbm:s0], $0x10  }
0x1d2: {  	(v2sf) =	vpush v0, $0xE;
	_ =	sdelay $0xe  }
0x1d3: {  	s0 =	spop (v2sf)  }
0x1d4: {  	s0 =	sand.u32 $0x1FFFFFF0, s0  }
0x1d5: {  	s1 =	rddreg [dreg:$0x1e];
	s0 =	sadd.s32 s25, s0  }
0x1d6: {  	[hbm:s1], [sflag:s23] =	dma.local [hbm:s0], $0x10  }
0x1d7: {  	(v2sf) =	vpush v0, $0xF;
	_ =	sdelay $0xe  }
0x1d8: {  	s0 =	spop (v2sf)  }
0x1d9: {  	s0 =	sand.u32 $0x1FFFFFF0, s0  }
0x1da: {  	s1 =	rddreg [dreg:$0x1f];
	s0 =	sadd.s32 s25, s0  }
0x1db: {  	[hbm:s1], [sflag:s23] =	dma.local [hbm:s0], $0x10  }
0x1dc: {  	v62 =	vld [tilespmem:$0x10];
	_ =	sdelay $0x4  }
0x1dd: {  	v0 =	vshll.u32 v62, $0x4  }
0x1de: {  	(v2sf) =	vpush v0, $0x0;
	_ =	sdelay $0xe  }
0x1df: {  	s1 =	sld [smem:$0x7CC];
	s0 =	spop (v2sf)  }
0x1e0: {  	s0 =	sand.u32 $0x1FFFFFF0, s0  }
0x1e1: {  	s0 =	sadd.s32 s25, s0  }
0x1e2: {  	[hbm:s1], [sflag:s23] =	dma.local [hbm:s0], $0x10  }
0x1e3: {  	(v2sf) =	vpush v0, $0x1;
	_ =	sdelay $0xe  }
0x1e4: {  	s1 =	sld [smem:$0x7CD];
	s0 =	spop (v2sf)  }
0x1e5: {  	s0 =	sand.u32 $0x1FFFFFF0, s0  }
0x1e6: {  	s0 =	sadd.s32 s25, s0  }
0x1e7: {  	[hbm:s1], [sflag:s23] =	dma.local [hbm:s0], $0x10  }
0x1e8: {  	(v2sf) =	vpush v0, $0x2;
	_ =	sdelay $0xe  }
0x1e9: {  	s1 =	sld [smem:$0x7CE];
	s0 =	spop (v2sf)  }
0x1ea: {  	s0 =	sand.u32 $0x1FFFFFF0, s0  }
0x1eb: {  	s0 =	sadd.s32 s25, s0  }
0x1ec: {  	[hbm:s1], [sflag:s23] =	dma.local [hbm:s0], $0x10  }
0x1ed: {  	(v2sf) =	vpush v0, $0x3;
	_ =	sdelay $0xe  }
0x1ee: {  	s1 =	sld [smem:$0x7CF];
	s0 =	spop (v2sf)  }
0x1ef: {  	s0 =	sand.u32 $0x1FFFFFF0, s0  }
0x1f0: {  	s0 =	sadd.s32 s25, s0  }
0x1f1: {  	[hbm:s1], [sflag:s23] =	dma.local [hbm:s0], $0x10  }
0x1f2: {  	(v2sf) =	vpush v0, $0x4;
	_ =	sdelay $0xe  }
0x1f3: {  	s1 =	sld [smem:$0x7D0];
	s0 =	spop (v2sf)  }
0x1f4: {  	s0 =	sand.u32 $0x1FFFFFF0, s0  }
0x1f5: {  	s0 =	sadd.s32 s25, s0  }
0x1f6: {  	[hbm:s1], [sflag:s23] =	dma.local [hbm:s0], $0x10  }
0x1f7: {  	(v2sf) =	vpush v0, $0x5;
	_ =	sdelay $0xe  }
0x1f8: {  	s1 =	sld [smem:$0x7D1];
	s0 =	spop (v2sf)  }
0x1f9: {  	s0 =	sand.u32 $0x1FFFFFF0, s0  }
0x1fa: {  	s0 =	sadd.s32 s25, s0  }
0x1fb: {  	[hbm:s1], [sflag:s23] =	dma.local [hbm:s0], $0x10  }
0x1fc: {  	(v2sf) =	vpush v0, $0x6;
	_ =	sdelay $0xe  }
0x1fd: {  	s1 =	sld [smem:$0x7D2];
	s0 =	spop (v2sf)  }
0x1fe: {  	s0 =	sand.u32 $0x1FFFFFF0, s0  }
0x1ff: {  	s0 =	sadd.s32 s25, s0  }
0x200: {  	[hbm:s1], [sflag:s23] =	dma.local [hbm:s0], $0x10  }
0x201: {  	(v2sf) =	vpush v0, $0x7;
	_ =	sdelay $0xe  }
0x202: {  	s1 =	sld [smem:$0x7D3];
	s0 =	spop (v2sf)  }
0x203: {  	s0 =	sand.u32 $0x1FFFFFF0, s0  }
0x204: {  	s0 =	sadd.s32 s25, s0  }
0x205: {  	[hbm:s1], [sflag:s23] =	dma.local [hbm:s0], $0x10  }
0x206: {  	(v2sf) =	vpush v0, $0x8;
	_ =	sdelay $0xe  }
0x207: {  	s1 =	sld [smem:$0x7D4];
	s0 =	spop (v2sf)  }
0x208: {  	s0 =	sand.u32 $0x1FFFFFF0, s0  }
0x209: {  	s0 =	sadd.s32 s25, s0  }
0x20a: {  	[hbm:s1], [sflag:s23] =	dma.local [hbm:s0], $0x10  }
0x20b: {  	(v2sf) =	vpush v0, $0x9;
	_ =	sdelay $0xe  }
0x20c: {  	s1 =	sld [smem:$0x7D5];
	s0 =	spop (v2sf)  }
0x20d: {  	s0 =	sand.u32 $0x1FFFFFF0, s0  }
0x20e: {  	s0 =	sadd.s32 s25, s0  }
0x20f: {  	[hbm:s1], [sflag:s23] =	dma.local [hbm:s0], $0x10  }
0x210: {  	(v2sf) =	vpush v0, $0xA;
	_ =	sdelay $0xe  }
0x211: {  	s1 =	sld [smem:$0x7D6];
	s0 =	spop (v2sf)  }
0x212: {  	s0 =	sand.u32 $0x1FFFFFF0, s0  }
0x213: {  	s0 =	sadd.s32 s25, s0  }
0x214: {  	[hbm:s1], [sflag:s23] =	dma.local [hbm:s0], $0x10  }
0x215: {  	(v2sf) =	vpush v0, $0xB;
	_ =	sdelay $0xe  }
0x216: {  	s1 =	sld [smem:$0x7D7];
	s0 =	spop (v2sf)  }
0x217: {  	s0 =	sand.u32 $0x1FFFFFF0, s0  }
0x218: {  	s0 =	sadd.s32 s25, s0  }
0x219: {  	[hbm:s1], [sflag:s23] =	dma.local [hbm:s0], $0x10  }
0x21a: {  	(v2sf) =	vpush v0, $0xC;
	_ =	sdelay $0xe  }
0x21b: {  	s1 =	sld [smem:$0x7D8];
	s0 =	spop (v2sf)  }
0x21c: {  	s0 =	sand.u32 $0x1FFFFFF0, s0  }
0x21d: {  	s0 =	sadd.s32 s25, s0  }
0x21e: {  	[hbm:s1], [sflag:s23] =	dma.local [hbm:s0], $0x10  }
0x21f: {  	(v2sf) =	vpush v0, $0xD;
	_ =	sdelay $0xe  }
0x220: {  	s1 =	sld [smem:$0x7D9];
	s0 =	spop (v2sf)  }
0x221: {  	s0 =	sand.u32 $0x1FFFFFF0, s0  }
0x222: {  	s0 =	sadd.s32 s25, s0  }
0x223: {  	[hbm:s1], [sflag:s23] =	dma.local [hbm:s0], $0x10  }
0x224: {  	(v2sf) =	vpush v0, $0xE;
	_ =	sdelay $0xe  }
0x225: {  	s1 =	sld [smem:$0x7DA];
	s0 =	spop (v2sf)  }
0x226: {  	s0 =	sand.u32 $0x1FFFFFF0, s0  }
0x227: {  	s0 =	sadd.s32 s25, s0  }
0x228: {  	[hbm:s1], [sflag:s23] =	dma.local [hbm:s0], $0x10  }
0x229: {  	(v2sf) =	vpush v0, $0xF;
	_ =	sdelay $0xe  }
0x22a: {  	s1 =	sld [smem:$0x7DB];
	s0 =	spop (v2sf)  }
0x22b: {  	s0 =	sand.u32 $0x1FFFFFF0, s0  }
0x22c: {  	s18 =	simm.s32 $0x20;
	s0 =	sadd.s32 s25, s0  }
0x22d: {  	[hbm:s1], [sflag:s23] =	dma.local [hbm:s0], $0x10  }
0x22e: {  	v63 =	vld [tilespmem:s18+$0x0];
	_ =	sdelay $0x4  }
0x22f: {  	v0 =	vshll.u32 v63, $0x4  }
0x230: {  	(v2sf) =	vpush v0, $0x8  }
0x231: {  	(v2sf) =	vpush v0, $0xF  }
0x232: {  	(v2sf) =	vpush v0, $0xB  }
0x233: {  	(v2sf) =	vpush v0, $0x7  }
0x234: {  	(v2sf) =	vpush v0, $0x6  }
0x235: {  	(v2sf) =	vpush v0, $0x5  }
0x236: {  	(v2sf) =	vpush v0, $0x4  }
0x237: {  	(v2sf) =	vpush v0, $0x3  }
0x238: {  	(v2sf) =	vpush v0, $0x1  }
0x239: {  	(v2sf) =	vpush v0, $0x0  }
0x23a: {  	(v2sf) =	vpush v0, $0x9  }
0x23b: {  	(v2sf) =	vpush v0, $0xA  }
0x23c: {  	s5 =	sadd.s32 $0x0, s8  }
0x23d: {  	s26 =	sadd.s32 $0x250, s5;
	s28 =	sadd.s32 $0x260, s5;
	s6 =	sadd.s32 $0x220, s5  }
0x23e: {  	s12 =	sadd.s32 $0x200, s5;
	s20 =	sadd.s32 $0x2E0, s5;
	s21 =	sadd.s32 $0x2F0, s5  }
0x23f: {  	s29 =	sadd.s32 $0x2C0, s5;
	s22 =	sadd.s32 $0x2D0, s5;
	s19 =	spop (v2sf)  }
0x240: {  	s7 =	sadd.s32 $0x2A0, s5;
	[dreg:$0x8] =	wrdreg s20;
	s2 =	spop (v2sf)  }
0x241: {  	s9 =	sadd.s32 $0x290, s5;
	[dreg:$0x9] =	wrdreg s21;
	s10 =	spop (v2sf)  }
0x242: {  	s8 =	sadd.s32 $0x230, s5;
	[dreg:$0xc] =	wrdreg s22;
	s16 =	spop (v2sf)  }
0x243: {  	s0 =	sadd.s32 $0x2B0, s5;
	s19 =	sand.u32 $0x1FFFFFF0, s19;
	s13 =	spop (v2sf)  }
0x244: {  	s2 =	sand.u32 $0x1FFFFFF0, s2;
	s31 =	sand.u32 $0x1FFFFFF0, s10;
	s15 =	spop (v2sf)  }
0x245: {  	s16 =	sand.u32 $0x1FFFFFF0, s16;
	s18 =	sand.u32 $0x1FFFFFF0, s13;
	s17 =	spop (v2sf)  }
0x246: {  	s13 =	sadd.s32 s25, s31;
	s31 =	simm.s32 $0x30;
	s20 =	spop (v2sf)  }
0x247: {  	(v2sf) =	vpush v0, $0xC;
	s21 =	sand.u32 $0x1FFFFFF0, s15;
	s15 =	sadd.s32 s25, s19;
	s11 =	spop (v2sf)  }
0x248: {  	(v2sf) =	vpush v0, $0xD;
	s19 =	sadd.s32 $0x240, s5;
	s17 =	sand.u32 $0x1FFFFFF0, s17;
	s14 =	spop (v2sf)  }
0x249: {  	(v2sf) =	vpush v0, $0xE;
	s20 =	sand.u32 $0x1FFFFFF0, s20;
	s24 =	sand.u32 $0x1FFFFFF0, s14;
	s30 =	spop (v2sf)  }
0x24a: {  	(v2sf) =	vpush v0, $0x2;
	s11 =	sand.u32 $0x1FFFFFF0, s11;
	s10 =	sadd.s32 s25, s24;
	s22 =	spop (v2sf)  }
0x24b: {  	[hbm:s12], [sflag:s23] =	dma.local [hbm:s10], $0x10  }
0x24c: {  	s14 =	sadd.s32 $0x270, s5;
	s12 =	sadd.s32 $0x280, s5;
	s10 =	sadd.s32 s25, s2  }
0x24d: {  	s2 =	sadd.s32 $0x210, s5;
	s5 =	sand.u32 $0x1FFFFFF0, s30;
	s30 =	simm.s32 $0x100  }
.LBB2_3:
0x24e: {  	_ =	sdelay $0x9  }
0x24f: {  	s3 =	sadd.s32 s25, s16;
	s4 =	spop (v2sf)  }
0x250: {  	s1 =	smov.u32 s30;
	s18 =	sadd.s32 s25, s18;
	s24 =	spop (v2sf)  }
0x251: {  	[dreg:$0xe] =	wrdreg s1;
	s1 =	sand.u32 $0x1FFFFFF0, s24;
	s24 =	spop (v2sf)  }
0x252: {  	s21 =	sadd.s32 s25, s21;
	s4 =	sand.u32 $0x1FFFFFF0, s4;
	s16 =	spop (v2sf)  }
0x253: {  	s4 =	sadd.s32 s25, s4;
	s25 =	sand.u32 $0x1FFFFFF0, s16;
	s16 =	rddreg [dreg:$0x4]  }
0x254: {  	s24 =	sand.u32 $0x1FFFFFF0, s24;
	s1 =	sadd.s32 s16, s1;
	s16 =	rddreg [dreg:$0x4]  }
0x255: {  	s24 =	sadd.s32 s16, s24;
	s16 =	rddreg [dreg:$0x4]  }
0x256: {  	s25 =	sadd.s32 s16, s25;
	s16 =	rddreg [dreg:$0x4]  }
0x257: {  	s22 =	sand.u32 $0x1FFFFFF0, s22;
	s5 =	sadd.s32 s16, s5;
	s16 =	rddreg [dreg:$0x4]  }
0x258: {  	s22 =	sadd.s32 s16, s22;
	s16 =	rddreg [dreg:$0x4]  }
0x259: {  	s11 =	sadd.s32 s16, s11;
	s16 =	rddreg [dreg:$0x4]  }
0x25a: {  	s20 =	sadd.s32 s16, s20;
	s16 =	rddreg [dreg:$0x4]  }
0x25b: {  	[hbm:s2], [sflag:s23] =	dma.local [hbm:s11], $0x10  }
0x25c: {  	[hbm:s6], [sflag:s23] =	dma.local [hbm:s25], $0x10  }
0x25d: {  	s17 =	sadd.s32 s16, s17;
	s25 =	rddreg [dreg:$0x4]  }
0x25e: {  	[hbm:s8], [sflag:s23] =	dma.local [hbm:s20], $0x10  }
0x25f: {  	[hbm:s19], [sflag:s23] =	dma.local [hbm:s17], $0x10  }
0x260: {  	[hbm:s26], [sflag:s23] =	dma.local [hbm:s21], $0x10  }
0x261: {  	[hbm:s28], [sflag:s23] =	dma.local [hbm:s18], $0x10  }
0x262: {  	[hbm:s14], [sflag:s23] =	dma.local [hbm:s3], $0x10  }
0x263: {  	[hbm:s12], [sflag:s23] =	dma.local [hbm:s15], $0x10  }
0x264: {  	[hbm:s9], [sflag:s23] =	dma.local [hbm:s5], $0x10  }
0x265: {  	[hbm:s7], [sflag:s23] =	dma.local [hbm:s22], $0x10  }
0x266: {  	[hbm:s0], [sflag:s23] =	dma.local [hbm:s13], $0x10  }
0x267: {  	[hbm:s29], [sflag:s23] =	dma.local [hbm:s4], $0x10  }
0x268: {  	s8 =	rddreg [dreg:$0xc]  }
0x269: {  	[hbm:s8], [sflag:s23] =	dma.local [hbm:s1], $0x10  }
0x26a: {  	s0 =	rddreg [dreg:$0x8]  }
0x26b: {  	[hbm:s0], [sflag:s23] =	dma.local [hbm:s24], $0x10  }
0x26c: {  	s9 =	simm.s32 $0x1;
	s0 =	rddreg [dreg:$0x9]  }
0x26d: {  	[hbm:s0], [sflag:s23] =	dma.local [hbm:s10], $0x10  }
0x26e: {  	_ =	swait.ge [sflag:s9], $0x100  }
0x26f: {  	[sflag:s9] =	ssyncset.done $0x0  }
0x270: {  	[sflag:s9] =	ssyncadd.s32 $0xFFFFFF00  }
0x271: {  	v0 =	vld [tilespmem:s31+$0x0];
	_ =	sdelay $0x4  }
0x272: {  	v0 =	vshll.u32 v0, $0x4  }
0x273: {  	(v2sf) =	vpush v0, $0x8  }
0x274: {  	(v2sf) =	vpush v0, $0xF  }
0x275: {  	(v2sf) =	vpush v0, $0xB  }
0x276: {  	(v2sf) =	vpush v0, $0x7  }
0x277: {  	(v2sf) =	vpush v0, $0x6  }
0x278: {  	(v2sf) =	vpush v0, $0x5  }
0x279: {  	(v2sf) =	vpush v0, $0x4  }
0x27a: {  	(v2sf) =	vpush v0, $0x3  }
0x27b: {  	s10 =	rddreg [dreg:$0x6];
	(v2sf) =	vpush v0, $0x1  }
0x27c: {  	s11 =	rddreg [dreg:$0xe];
	(v2sf) =	vpush v0, $0x0  }
0x27d: {  	p1 =	seq.s32 s30, $0x3D00;
	s30 =	sadd.s32 $0x100, s30;
	s19 =	sadd.s32 s11, s10;
	(v2sf) =	vpush v0, $0x9  }
0x27e: {  	s26 =	sadd.s32 $0x250, s19;
	s28 =	sadd.s32 $0x260, s19;
	s6 =	sadd.s32 $0x220, s19;
	(v2sf) =	vpush v0, $0xA  }
0x27f: {  	s1 =	sadd.s32 $0x200, s19;
	s31 =	sadd.s32 $0x10, s31;
	s8 =	sadd.s32 $0x230, s19  }
0x280: {  	s0 =	sadd.s32 $0x2E0, s19;
	s12 =	sadd.s32 $0x2F0, s19;
	s29 =	sadd.s32 $0x2C0, s19  }
0x281: {  	s13 =	sadd.s32 $0x2D0, s19;
	s7 =	sadd.s32 $0x2A0, s19;
	[dreg:$0x8] =	wrdreg s0  }
0x282: {  	s9 =	sadd.s32 $0x290, s19;
	[dreg:$0x9] =	wrdreg s12;
	s14 =	spop (v2sf)  }
0x283: {  	s2 =	sadd.s32 $0x210, s19;
	[dreg:$0xc] =	wrdreg s13;
	s17 =	spop (v2sf)  }
0x284: {  	s0 =	sadd.s32 $0x2B0, s19;
	s12 =	sadd.s32 $0x280, s19;
	s18 =	spop (v2sf)  }
0x285: {  	s15 =	sand.u32 $0x1FFFFFF0, s14;
	s14 =	sadd.s32 $0x270, s19;
	s20 =	spop (v2sf)  }
0x286: {  	s19 =	sadd.s32 $0x240, s19;
	s3 =	sand.u32 $0x1FFFFFF0, s17;
	s21 =	spop (v2sf)  }
0x287: {  	s15 =	sadd.s32 s25, s15;
	s4 =	sand.u32 $0x1FFFFFF0, s18;
	s22 =	spop (v2sf)  }
0x288: {  	s10 =	sadd.s32 s25, s3;
	s16 =	sand.u32 $0x1FFFFFF0, s20;
	s24 =	spop (v2sf)  }
0x289: {  	s13 =	sadd.s32 s25, s4;
	s18 =	sand.u32 $0x1FFFFFF0, s21;
	s5 =	spop (v2sf)  }
.Ltmp5:
0x28a: {  	(v2sf) =	vpush v0, $0xC;
	s21 =	sand.u32 $0x1FFFFFF0, s22;
	s11 =	spop (v2sf);
	(pc) =	sbr.rel @!p1 .LBB2_3-.Ltmp5, $4  }
0x28b: {  	(v2sf) =	vpush v0, $0xD;
	s17 =	sand.u32 $0x1FFFFFF0, s24;
	s20 =	sand.u32 $0x1FFFFFF0, s5;
	s22 =	spop (v2sf)  }
0x28c: {  	(v2sf) =	vpush v0, $0xE;
	s11 =	sand.u32 $0x1FFFFFF0, s11;
	s3 =	sand.u32 $0x1FFFFFF0, s22;
	s24 =	spop (v2sf)  }
0x28d: {  	(v2sf) =	vpush v0, $0x2;
	s3 =	sadd.s32 s25, s3;
	s5 =	sand.u32 $0x1FFFFFF0, s24;
	s22 =	spop (v2sf)  }
0x28e: {  	[hbm:s1], [sflag:s23] =	dma.local [hbm:s3], $0x10  }
0x28f: {  	_ =	sdelay $0x9  }
0x290: {  	s1 =	spop (v2sf)  }
0x291: {  	s3 =	spop (v2sf)  }
0x292: {  	s4 =	spop (v2sf)  }
0x293: {  	s11 =	sadd.s32 s25, s11;
	s24 =	spop (v2sf)  }
0x294: {  	[hbm:s2], [sflag:s23] =	dma.local [hbm:s11], $0x10  }
0x295: {  	s31 =	sand.u32 $0x1FFFFFF0, s24;
	s11 =	sadd.s32 s25, s17  }
0x296: {  	s17 =	sadd.s32 s25, s21;
	s21 =	sadd.s32 s25, s5;
	s2 =	sadd.s32 s25, s31  }
0x297: {  	[hbm:s6], [sflag:s23] =	dma.local [hbm:s2], $0x10  }
0x298: {  	s24 =	sand.u32 $0x1FFFFFF0, s22;
	s6 =	sadd.s32 s25, s20;
	s20 =	sadd.s32 s25, s16  }
0x299: {  	[hbm:s8], [sflag:s23] =	dma.local [hbm:s6], $0x10  }
0x29a: {  	[hbm:s19], [sflag:s23] =	dma.local [hbm:s11], $0x10  }
0x29b: {  	[hbm:s26], [sflag:s23] =	dma.local [hbm:s17], $0x10  }
0x29c: {  	s2 =	sadd.s32 s25, s24;
	s19 =	sadd.s32 s25, s18;
	s26 =	sand.u32 $0x1FFFFFF0, s1  }
0x29d: {  	[hbm:s28], [sflag:s23] =	dma.local [hbm:s19], $0x10  }
0x29e: {  	[hbm:s14], [sflag:s23] =	dma.local [hbm:s20], $0x10  }
0x29f: {  	[hbm:s12], [sflag:s23] =	dma.local [hbm:s15], $0x10  }
0x2a0: {  	[hbm:s9], [sflag:s23] =	dma.local [hbm:s21], $0x10  }
0x2a1: {  	[hbm:s7], [sflag:s23] =	dma.local [hbm:s2], $0x10  }
0x2a2: {  	[hbm:s0], [sflag:s23] =	dma.local [hbm:s13], $0x10  }
0x2a3: {  	s28 =	sand.u32 $0x1FFFFFF0, s3;
	s0 =	sadd.s32 s25, s26  }
0x2a4: {  	[hbm:s29], [sflag:s23] =	dma.local [hbm:s0], $0x10  }
0x2a5: {  	s30 =	sand.u32 $0x1FFFFFF0, s4;
	s0 =	sadd.s32 s25, s28;
	s29 =	rddreg [dreg:$0xc]  }
0x2a6: {  	[hbm:s29], [sflag:s23] =	dma.local [hbm:s0], $0x10  }
0x2a7: {  	s0 =	sadd.s32 s25, s30;
	s1 =	rddreg [dreg:$0x8]  }
0x2a8: {  	[hbm:s1], [sflag:s23] =	dma.local [hbm:s0], $0x10  }
.Ltmp6:
0x2a9: {  	s31 =	simm.s32 $0x1;
	s0 =	rddreg [dreg:$0x9];
	(pc) =	sbr.rel .LBB2_8-.Ltmp6, $4  }
0x2aa: {  	[hbm:s0], [sflag:s23] =	dma.local [hbm:s10], $0x10  }
0x2ab: {  	_ =	swait.ge [sflag:s31], $0x100  }
0x2ac: {  	[sflag:s31] =	ssyncset.done $0x0  }
0x2ad: {  	s1 =	simm.s32 $0x1;
	s4 =	rddreg [dreg:$0x10];
	[sflag:s31] =	ssyncadd.s32 $0xFFFFFF00  }
.LBB2_9:
0x2ae: {  	_ =	sfence.sel $0x180000  }
0x2af: {  	[bflag:$0x0] =	sbarrier.arrive $0xFFFF  }
0x2b0: {  	_ =	strace $0x90000047  }
0x2b1: {  	s0 =	stileid.u32;
	[bflag:$0x2] =	sbarrier.arrive $0xFFFF  }
0x2b2: {  	p0 =	sne.s32 s0, $0x0;
	s0 =	rddreg [dreg:$0x3]  }
0x2b3: {  	s0 =	sadd.s32 @!p0 $0x100000, s0  }
0x2b4: {  	[sflag:s0] =	ssyncadd.tile.s32 @!p0 $0x1;
	_ =	shalt  }
.Lfunc_end2:
_tile_overlayer_lowered:
.L_overlay_start_2:
0x2b5: {  	(tag) =	ssettag $0x2  }
0x2b6: {  	s0 =	rddreg [dreg:$0x0];
	s2 =	stileid.u32  }
0x2b7: {  	s1 =	rddreg [dreg:$0x1];
	p0 =	sne.s32 s2, $0x0  }
0x2b8: {  	s3 =	rddreg [dreg:$0x2];
	[bflag:$0x3] =	sbarrier.arrive $0xFFFF;
	s2 =	simm.s32 @!p0 $0x1C02  }
0x2b9: {  	[timem:s3], [sflag:s2] =	dma.local @!p0 [hbm:s0], s1  }
0x2ba: {  	s0 =	simm.s32 @!p0 $0x2  }
0x2bb: {  	_ =	swait.ge @!p0 [sflag:s0], s1  }
0x2bc: {  	s1 =	ssub.s32 @!p0 $0x0, s1;
	[sflag:s0] =	ssyncset.done @!p0 $0x0  }
0x2bd: {  	[sflag:s0] =	ssyncadd.s32 @!p0 s1  }
0x2be: {  	[bflag:$0x3] =	sbarrier.arrive $0xFFFF  }
0x2bf: {  	_ =	shalt  }

</sc_bundles>
